<compile_context>
chip_gen: v7x
topology: tpu7x:2x2x1
jax: 0.10.2.dev20260603
libtpu: 0.0.44.dev20260713+nightly
codegen_flags: <defaults>
</compile_context>

<pallas_src>
import functools

import jax
import jax.numpy as jnp
from jax import lax
from jax.experimental import pallas as pl
from jax.experimental.pallas import tpu as pltpu
from jax.experimental.pallas import tpu_sc as plsc

_N = 10000
_E = 320000
_D_IN = 128
_H = 4
_C = 32
_HC = _H * _C
_D_E = 16
_NEG = 0.2

_info = plsc.get_sparse_core_info()
_NC, _NS, _L = _info.num_cores, _info.num_subcores, _info.num_lanes
_NW = _NC * _NS
_CH = 128
_GRAN = _NW * _CH

_N_PAD = 10240
_E2 = _E + _N
_E2P = ((_E2 + _GRAN - 1) // _GRAN) * _GRAN
_EP = ((_E + _GRAN - 1) // _GRAN) * _GRAN


def _make_sc_gather(V, D, B):
    bpw = B // _NW
    nch = bpw // _CH
    mesh = plsc.VectorSubcoreMesh(core_axis_name="c", subcore_axis_name="s")

    @functools.partial(
        pl.kernel, mesh=mesh,
        out_type=jax.ShapeDtypeStruct((B, D), jnp.float32),
        scratch_types=[
            pltpu.VMEM((bpw,), jnp.int32),
            pltpu.VMEM((_CH, D), jnp.float32),
            pltpu.SemaphoreType.DMA,
        ],
    )
    def k(table_hbm, idx_hbm, out_hbm, idx_v, rows_v, sem):
        wid = lax.axis_index("s") * _NC + lax.axis_index("c")
        base = wid * bpw
        pltpu.sync_copy(idx_hbm.at[pl.ds(base, bpw)], idx_v)

        def body(j, carry):
            off = j * _CH
            pltpu.async_copy(table_hbm.at[idx_v.at[pl.ds(off, _CH)]],
                             rows_v, sem).wait()
            pltpu.sync_copy(rows_v, out_hbm.at[pl.ds(base + off, _CH)])
            return carry

        lax.fori_loop(0, nch, body, 0)

    return k


def _make_sc_scatter_add(D, B):
    bpw = B // _NW
    nch = bpw // _CH
    rps = _N_PAD // _NS
    mesh = plsc.VectorSubcoreMesh(core_axis_name="c", subcore_axis_name="s")

    @functools.partial(
        pl.kernel, mesh=mesh,
        out_type=jax.ShapeDtypeStruct((_NC * _N_PAD, D), jnp.float32),
        scratch_types=[
            pltpu.VMEM((_CH,), jnp.int32),
            pltpu.VMEM((_CH, D), jnp.float32),
            pltpu.VMEM_SHARED((_N_PAD, D), jnp.float32),
        ],
    )
    def k(vals_hbm, idx_hbm, zeros_hbm, out_hbm, idx_v, vals_v, shared):
        cid = lax.axis_index("c")
        sid = lax.axis_index("s")
        wid = sid * _NC + cid
        base = wid * bpw

        pltpu.sync_copy(zeros_hbm.at[pl.ds(sid * rps, rps)],
                        shared.at[pl.ds(sid * rps, rps)])
        plsc.subcore_barrier()

        def step(j, carry):
            off = base + j * _CH
            pltpu.sync_copy(idx_hbm.at[pl.ds(off, _CH)], idx_v)
            pltpu.sync_copy(vals_hbm.at[pl.ds(off, _CH)], vals_v)
            pltpu.sync_copy(vals_v, shared.at[idx_v], add=True)
            return carry

        lax.fori_loop(0, nch, step, 0)
        plsc.subcore_barrier()
        pltpu.sync_copy(shared.at[pl.ds(sid * rps, rps)],
                        out_hbm.at[pl.ds(cid * _N_PAD + sid * rps, rps)])

    return k



_BN = 1024
_BE = 512


def _tc_transform(x_pad, W_l, b_l, W_r, b_r, stats_p):
    grid = _N_PAD // _BN

    def body(x_ref, wl_ref, bl_ref, wr_ref, br_ref, s0_ref, s1_ref,
             xl_ref, xr_ref, la_ref):
        xb = x_ref[...]
        xl_ref[...] = jnp.dot(xb, wl_ref[...],
                              preferred_element_type=jnp.float32) + bl_ref[...]
        xr_ref[...] = jnp.dot(xb, wr_ref[...],
                              preferred_element_type=jnp.float32) + br_ref[...]
        st = s0_ref[...] + s1_ref[...]
        attr_sum = st[:, :_D_E]
        deg = st[:, _D_E:_D_E + 1]
        la_ref[...] = attr_sum / jnp.maximum(deg, 1.0)

    return pl.pallas_call(
        body,
        grid=(grid,),
        in_specs=[
            pl.BlockSpec((_BN, _D_IN), lambda i: (i, 0)),
            pl.BlockSpec((_D_IN, _HC), lambda i: (0, 0)),
            pl.BlockSpec((1, _HC), lambda i: (0, 0)),
            pl.BlockSpec((_D_IN, _HC), lambda i: (0, 0)),
            pl.BlockSpec((1, _HC), lambda i: (0, 0)),
            pl.BlockSpec((_BN, _HC), lambda i: (i, 0)),
            pl.BlockSpec((_BN, _HC), lambda i: (i + _N_PAD // _BN, 0)),
        ],
        out_specs=[
            pl.BlockSpec((_BN, _HC), lambda i: (i, 0)),
            pl.BlockSpec((_BN, _HC), lambda i: (i, 0)),
            pl.BlockSpec((_BN, _D_E), lambda i: (i, 0)),
        ],
        out_shape=[
            jax.ShapeDtypeStruct((_N_PAD, _HC), jnp.float32),
            jax.ShapeDtypeStruct((_N_PAD, _HC), jnp.float32),
            jax.ShapeDtypeStruct((_N_PAD, _D_E), jnp.float32),
        ],
    )(x_pad, W_l, b_l.reshape(1, _HC), W_r, b_r.reshape(1, _HC), stats_p, stats_p)


def _tc_logits(gl, gr, ea2p, W_e, att_row, sel):
    grid = _E2P // _BE

    def body(gl_ref, gr_ref, ea_ref, we_ref, att_ref, sel_ref,
             lg_ref, bm_ref):
        i = pl.program_id(0)
        m = gl_ref[...] + gr_ref[...] + jnp.dot(
            ea_ref[...], we_ref[...], preferred_element_type=jnp.float32)
        m = jnp.where(m >= 0, m, _NEG * m)
        md = m * att_ref[...]
        lg = jnp.dot(md, sel_ref[...], preferred_element_type=jnp.float32)
        rows = i * _BE + lax.broadcasted_iota(jnp.int32, (_BE, 16), 0)
        lg = jnp.where(rows < _E2, lg, -1e30)
        lg_ref[...] = lg
        bm_ref[...] = jnp.max(lg, axis=0, keepdims=True)[None]

    return pl.pallas_call(
        body,
        grid=(grid,),
        in_specs=[
            pl.BlockSpec((_BE, _HC), lambda i: (i, 0)),
            pl.BlockSpec((_BE, _HC), lambda i: (i, 0)),
            pl.BlockSpec((_BE, _D_E), lambda i: (i, 0)),
            pl.BlockSpec((_D_E, _HC), lambda i: (0, 0)),
            pl.BlockSpec((1, _HC), lambda i: (0, 0)),
            pl.BlockSpec((_HC, 16), lambda i: (0, 0)),
        ],
        out_specs=[
            pl.BlockSpec((_BE, 16), lambda i: (i, 0)),
            pl.BlockSpec((1, 1, 16), lambda i: (i, 0, 0)),
        ],
        out_shape=[
            jax.ShapeDtypeStruct((_E2P, 16), jnp.float32),
            jax.ShapeDtypeStruct((grid, 1, 16), jnp.float32),
        ],
    )(gl, gr, ea2p, W_e, att_row, sel)


def _tc_exp(logits, blockmax):
    grid = _E2P // _BE
    nb = grid

    def body(lg_ref, bm_ref, ex_ref):
        lmax = jnp.max(bm_ref[...], axis=(0, 1))[None, :]
        ex16 = jnp.exp(lg_ref[...] - lmax)
        ex_ref[...] = jnp.concatenate(
            [ex16, jnp.zeros((_BE, _HC - 16), jnp.float32)], axis=1)

    return pl.pallas_call(
        body,
        grid=(grid,),
        in_specs=[
            pl.BlockSpec((_BE, 16), lambda i: (i, 0)),
            pl.BlockSpec((nb, 1, 16), lambda i: (0, 0, 0)),
        ],
        out_specs=pl.BlockSpec((_BE, _HC), lambda i: (i, 0)),
        out_shape=jax.ShapeDtypeStruct((_E2P, _HC), jnp.float32),
    )(logits, blockmax)


def _tc_alpha_vals(ex, denomg, gl, expand):
    grid = _E2P // _BE

    def body(ex_ref, dg_ref, gl_ref, exp_ref, al_ref, v_ref):
        alpha = ex_ref[...][:, :16] / (dg_ref[...][:, :16] + 1e-16)
        al_ref[...] = alpha
        aw = jnp.dot(alpha, exp_ref[...], preferred_element_type=jnp.float32)
        v_ref[...] = gl_ref[...] * aw

    return pl.pallas_call(
        body,
        grid=(grid,),
        in_specs=[
            pl.BlockSpec((_BE, _HC), lambda i: (i, 0)),
            pl.BlockSpec((_BE, _HC), lambda i: (i, 0)),
            pl.BlockSpec((_BE, _HC), lambda i: (i, 0)),
            pl.BlockSpec((16, _HC), lambda i: (0, 0)),
        ],
        out_specs=[
            pl.BlockSpec((_BE, 16), lambda i: (i, 0)),
            pl.BlockSpec((_BE, _HC), lambda i: (i, 0)),
        ],
        out_shape=[
            jax.ShapeDtypeStruct((_E2P, 16), jnp.float32),
            jax.ShapeDtypeStruct((_E2P, _HC), jnp.float32),
        ],
    )(ex, denomg, gl, expand)


def _tc_final(out_p, bias_row, gamma_row, beta_row):
    grid = _N_PAD // _BN

    def body(o0_ref, o1_ref, b_ref, g_ref, be_ref, hn_ref):
        h = o0_ref[...] + o1_ref[...] + b_ref[...]
        h = h * jax.nn.sigmoid(h)
        mu = jnp.mean(h, axis=1, keepdims=True)
        var = jnp.mean((h - mu) ** 2, axis=1, keepdims=True)
        hn_ref[...] = (h - mu) / jnp.sqrt(var + 1e-5) * g_ref[...] + be_ref[...]

    return pl.pallas_call(
        body,
        grid=(grid,),
        in_specs=[
            pl.BlockSpec((_BN, _HC), lambda i: (i, 0)),
            pl.BlockSpec((_BN, _HC), lambda i: (i + _N_PAD // _BN, 0)),
            pl.BlockSpec((1, _HC), lambda i: (0, 0)),
            pl.BlockSpec((1, _HC), lambda i: (0, 0)),
            pl.BlockSpec((1, _HC), lambda i: (0, 0)),
        ],
        out_specs=pl.BlockSpec((_BN, _HC), lambda i: (i, 0)),
        out_shape=jax.ShapeDtypeStruct((_N_PAD, _HC), jnp.float32),
    )(out_p, out_p, bias_row, gamma_row, beta_row)


def kernel(x, edge_index, edge_attr, W_l, b_l, W_r, b_r, W_e, att, bias_out,
           gamma, beta):
    src, dst = edge_index[0], edge_index[1]

    s_vals = jnp.concatenate(
        [edge_attr, jnp.ones((_E, _D_E), jnp.float32),
         jnp.zeros((_E, _HC - 2 * _D_E), jnp.float32)], axis=1)
    s_vals = jnp.pad(s_vals, ((0, _EP - _E), (0, 0)))
    dst_p = jnp.pad(dst, (0, _EP - _E))
    zeros128 = jnp.zeros((_N_PAD, _HC), jnp.float32)
    stats_p = _make_sc_scatter_add(_HC, _EP)(s_vals, dst_p, zeros128)

    x_pad = jnp.pad(x, ((0, _N_PAD - _N), (0, 0)))
    x_l, x_r, loop_attr = _tc_transform(x_pad, W_l, b_l, W_r, b_r, stats_p)

    loop_idx = jnp.arange(_N, dtype=src.dtype)
    src2 = jnp.pad(jnp.concatenate([src, loop_idx]), (0, _E2P - _E2))
    dst2 = jnp.pad(jnp.concatenate([dst, loop_idx]), (0, _E2P - _E2))
    ea2 = jnp.pad(jnp.concatenate([edge_attr, loop_attr[:_N]], axis=0),
                  ((0, _E2P - _E2), (0, 0)))

    gather_nodes = _make_sc_gather(_N_PAD, _HC, _E2P)
    gl = gather_nodes(x_l, src2)
    gr = gather_nodes(x_r, dst2)

    att_row = att.reshape(1, _HC)
    hsel = (jnp.arange(_HC, dtype=jnp.int32)[:, None] // _C
            == jnp.arange(16, dtype=jnp.int32)[None, :]).astype(jnp.float32)
    logits, blockmax = _tc_logits(gl, gr, ea2, W_e, att_row, hsel)
    ex = _tc_exp(logits, blockmax)

    denom_p = _make_sc_scatter_add(_HC, _E2P)(ex, dst2, zeros128)
    denom = denom_p[:_N_PAD] + denom_p[_N_PAD:]

    denomg = _make_sc_gather(_N_PAD, _HC, _E2P)(denom, dst2)

    expand = (jnp.arange(16, dtype=jnp.int32)[:, None]
              == jnp.arange(_HC, dtype=jnp.int32)[None, :] // _C
              ).astype(jnp.float32)
    alpha_full, vals = _tc_alpha_vals(ex, denomg, gl, expand)

    out_p = _make_sc_scatter_add(_HC, _E2P)(vals, dst2, zeros128)

    hn = _tc_final(out_p, bias_out.reshape(1, _HC), gamma.reshape(1, _HC),
                   beta.reshape(1, _HC))

    return hn[:_N], alpha_full[:_E2, :_H]

# --- scband reference (transcript-rebuilt; emitter-appended) ---
"""Pipeline reference for scband-gatv2-layer-83004537962839 (READ-ONLY COPY).

The authoritative reference and input builder live on the scoring server;
editing this copy changes nothing except your own understanding.
"""

import jax, jax.numpy as jnp
import numpy as np

N = 10000
E = 320000
D_IN = 128
H = 4
C = 32
HC = H * C
D_E = 16
NEG_SLOPE = 0.2


def setup_inputs(seed: int = 0) -> dict:
    key = jax.random.key(seed)
    ks = jax.random.split(key, 12)
    x = jax.random.normal(ks[0], (N, D_IN), dtype=jnp.float32)
    src = jax.random.randint(ks[1], (E,), 0, N, dtype=jnp.int32)
    dst = jax.random.randint(ks[2], (E,), 0, N, dtype=jnp.int32)
    # avoid pre-existing self loops (PyG removes then re-adds self loops)
    dst = jnp.where(dst == src, (dst + 1) % N, dst)
    edge_index = jnp.stack([src, dst], axis=0)
    edge_attr = jax.random.normal(ks[3], (E, D_E), dtype=jnp.float32)
    # GATv2Conv parameters
    W_l = jax.random.normal(ks[4], (D_IN, HC), dtype=jnp.float32) * (1.0 / np.sqrt(D_IN))
    b_l = jnp.zeros((HC,), dtype=jnp.float32)
    W_r = jax.random.normal(ks[5], (D_IN, HC), dtype=jnp.float32) * (1.0 / np.sqrt(D_IN))
    b_r = jnp.zeros((HC,), dtype=jnp.float32)
    W_e = jax.random.normal(ks[6], (D_E, HC), dtype=jnp.float32) * (1.0 / np.sqrt(D_E))
    att = jax.random.normal(ks[7], (1, H, C), dtype=jnp.float32) * (1.0 / np.sqrt(C))
    bias_out = jnp.zeros((HC,), dtype=jnp.float32)
    # LayerNorm parameters
    gamma = jnp.ones((HC,), dtype=jnp.float32)
    beta = jnp.zeros((HC,), dtype=jnp.float32)
    return {"x": x, "edge_index": edge_index, "edge_attr": edge_attr,
            "W_l": W_l, "b_l": b_l, "W_r": W_r, "b_r": b_r, "W_e": W_e,
            "att": att, "bias_out": bias_out, "gamma": gamma, "beta": beta}


def reference(x, edge_index, edge_attr, W_l, b_l, W_r, b_r, W_e, att, bias_out, gamma, beta):
    src, dst = edge_index[0], edge_index[1]
    x_l = (x @ W_l + b_l).reshape(N, H, C)  # source transform
    x_r = (x @ W_r + b_r).reshape(N, H, C)  # target transform
    # add self loops; edge_attr fill_value='mean' (mean of incoming edge attrs per node)
    deg = jax.ops.segment_sum(jnp.ones((E,), jnp.float32), dst, N)
    loop_attr = jax.ops.segment_sum(edge_attr, dst, N) / jnp.maximum(deg, 1.0)[:, None]
    loop_idx = jnp.arange(N, dtype=src.dtype)
    src2 = jnp.concatenate([src, loop_idx])
    dst2 = jnp.concatenate([dst, loop_idx])
    ea2 = jnp.concatenate([edge_attr, loop_attr], axis=0)
    e_emb = (ea2 @ W_e).reshape(-1, H, C)
    # GATv2 scoring: e_ij = a^T LeakyReLU(W_l x_j + W_r x_i + W_e e_ij)
    m = x_l[src2] + x_r[dst2] + e_emb
    m = jax.nn.leaky_relu(m, NEG_SLOPE)
    logits = (m * att).sum(-1)  # [E2, H]
    lmax = jax.ops.segment_max(logits, dst2, num_segments=N)
    lmax = jnp.where(jnp.isfinite(lmax), lmax, 0.0)
    ex = jnp.exp(logits - lmax[dst2])
    denom = jax.ops.segment_sum(ex, dst2, num_segments=N)
    alpha = ex / (denom[dst2] + 1e-16)  # [E2, H]
    out = jax.ops.segment_sum(x_l[src2] * alpha[:, :, None], dst2, num_segments=N)
    out = out.reshape(N, HC) + bias_out
    # outer module: LayerNorm(SiLU(h)); dropout p=0.0 (inference) is identity
    h = jax.nn.silu(out)
    mu = h.mean(-1, keepdims=True)
    var = ((h - mu) ** 2).mean(-1, keepdims=True)
    hn = (h - mu) / jnp.sqrt(var + 1e-5) * gamma + beta
    return hn, alpha

if __name__ == "__main__":
    import jax
    _d = setup_inputs()
    print(jax.jit(kernel)(*tuple(_d.values())))

</pallas_src>

<mosaic_0001>
#map = affine_map<(d0, d1) -> (0, 0)>
#map1 = affine_map<(d0, d1) -> (0)>
module attributes {stable_mosaic.version = 14 : i64} {
  func.func @k(%arg0: i32, %arg1: i32, %arg2: memref<10240x128xf32, #tpu.memory_space<hbm>>, %arg3: memref<331776xi32, #tpu.memory_space<hbm>>, %arg4: memref<331776x128xf32, #tpu.memory_space<hbm>>, %arg5: memref<10368xi32, #tpu.memory_space<vmem>>, %arg6: memref<128x128xf32, #tpu.memory_space<vmem>>, %arg7: memref<!tpu.dma_semaphore, #tpu.memory_space<semaphore_mem>>) attributes {dimension_semantics = [#tpu.dimension_semantics<core_parallel>, #tpu.dimension_semantics<subcore_parallel>], iteration_bounds = array<i64: 2, 16>, scalar_prefetch = 0 : i64, scratch_operands = 3 : i64, tpu.core_type = #tpu.core_type<sc_vector_subcore>, window_params = [{transform_indices = #map}, {transform_indices = #map1}, {transform_indices = #map}]} {
    %mul3A = arith.constant 2 : i32
    %mul3A_0 = arith.muli %arg1, %mul3A : i32
    %add3A = arith.addi %mul3A_0, %arg0 : i32
    %mul3A_1 = arith.constant 10368 : i32
    %mul3A_2 = arith.muli %add3A, %mul3A_1 : i32
    "tpu.region"() ({
      %run_scoped3A = tpu.sem_alloc : memref<!tpu.dma_semaphore, #tpu.memory_space<semaphore_mem>>
      %dma_start3A = tpu.memref_slice %arg3[%mul3A_2] : memref<331776xi32, #tpu.memory_space<hbm>> -> memref<10368xi32, #tpu.memory_space<hbm>>
      %dma_start3A_8 = tpu.memref_slice %arg3[%mul3A_2] : memref<331776xi32, #tpu.memory_space<hbm>> -> memref<10368xi32, #tpu.memory_space<hbm>>
      tpu.enqueue_dma source(%dma_start3A_8 : memref<10368xi32, #tpu.memory_space<hbm>>) target(%arg5 : memref<10368xi32, #tpu.memory_space<vmem>>) target_semaphore(%run_scoped3A : memref<!tpu.dma_semaphore, #tpu.memory_space<semaphore_mem>>)
      %dma_wait3A = tpu.memref_slice %arg3[%mul3A_2] : memref<331776xi32, #tpu.memory_space<hbm>> -> memref<10368xi32, #tpu.memory_space<hbm>>
      %dma_wait3A_9 = tpu.memref_slice %arg3[%mul3A_2] : memref<331776xi32, #tpu.memory_space<hbm>> -> memref<10368xi32, #tpu.memory_space<hbm>>
      tpu.wait_dma2 semaphore(%run_scoped3A : memref<!tpu.dma_semaphore, #tpu.memory_space<semaphore_mem>>) src(%dma_wait3A_9 : memref<10368xi32, #tpu.memory_space<hbm>>) dst(%arg5 : memref<10368xi32, #tpu.memory_space<vmem>>)
      tpu.yield
    }) : () -> ()
    %scan3A = arith.constant 0 : i32
    %scan3A_3 = arith.constant 0 : i32
    %scan3A_4 = arith.constant 81 : i32
    %scan3A_5 = arith.addi %scan3A_3, %scan3A_4 : i32
    %scan3A_6 = arith.constant 1 : i32
    scf.for %scan3A_8 = %scan3A_3 to %scan3A_5 step %scan3A_6  : i32 {
      %mul3A_9 = arith.constant 128 : i32
      %mul3A_10 = arith.muli %scan3A_8, %mul3A_9 : i32
      %dma_start3A = tpu.memref_slice %arg5[%mul3A_10] : memref<10368xi32, #tpu.memory_space<vmem>> -> memref<128xi32, #tpu.memory_space<vmem>>
      %dma_start3A_11 = arith.constant 0 : i32
      %dma_start3A_12 = arith.constant 0 : i32
      %dma_start3A_13 = tpu.memref_slice %arg2[%dma_start3A_11, %dma_start3A_12] : memref<10240x128xf32, #tpu.memory_space<hbm>> -> memref<10240x128xf32, #tpu.memory_space<hbm>>
      tpu.enqueue_indirect_dma source(%dma_start3A_13 : memref<10240x128xf32, #tpu.memory_space<hbm>>) target(%arg6 : memref<128x128xf32, #tpu.memory_space<vmem>>) offsets(%dma_start3A : memref<128xi32, #tpu.memory_space<vmem>>) semaphore(%arg7 : memref<!tpu.dma_semaphore, #tpu.memory_space<semaphore_mem>>)
      %dma_wait3A = tpu.memref_slice %arg5[%mul3A_10] : memref<10368xi32, #tpu.memory_space<vmem>> -> memref<128xi32, #tpu.memory_space<vmem>>
      %dma_wait3A_14 = arith.constant 0 : i32
      %dma_wait3A_15 = arith.constant 0 : i32
      %dma_wait3A_16 = tpu.memref_slice %arg2[%dma_wait3A_14, %dma_wait3A_15] : memref<10240x128xf32, #tpu.memory_space<hbm>> -> memref<10240x128xf32, #tpu.memory_space<hbm>>
      tpu.wait_indirect_dma semaphore(%arg7 : memref<!tpu.dma_semaphore, #tpu.memory_space<semaphore_mem>>) src(%dma_wait3A_16 : memref<10240x128xf32, #tpu.memory_space<hbm>>) dst(%arg6 : memref<128x128xf32, #tpu.memory_space<vmem>>)
      %add3A_17 = arith.addi %mul3A_2, %mul3A_10 : i32
      "tpu.region"() ({
        %run_scoped3A = tpu.sem_alloc : memref<!tpu.dma_semaphore, #tpu.memory_space<semaphore_mem>>
        %dma_start3A_18 = arith.constant 0 : i32
        %dma_start3A_19 = tpu.memref_slice %arg4[%add3A_17, %dma_start3A_18] : memref<331776x128xf32, #tpu.memory_space<hbm>> -> memref<128x128xf32, #tpu.memory_space<hbm>>
        %dma_start3A_20 = arith.constant 0 : i32
        %dma_start3A_21 = tpu.memref_slice %arg4[%add3A_17, %dma_start3A_20] : memref<331776x128xf32, #tpu.memory_space<hbm>> -> memref<128x128xf32, #tpu.memory_space<hbm>>
        tpu.enqueue_dma source(%arg6 : memref<128x128xf32, #tpu.memory_space<vmem>>) target(%dma_start3A_21 : memref<128x128xf32, #tpu.memory_space<hbm>>) target_semaphore(%run_scoped3A : memref<!tpu.dma_semaphore, #tpu.memory_space<semaphore_mem>>)
        %dma_wait3A_22 = arith.constant 0 : i32
        %dma_wait3A_23 = tpu.memref_slice %arg4[%add3A_17, %dma_wait3A_22] : memref<331776x128xf32, #tpu.memory_space<hbm>> -> memref<128x128xf32, #tpu.memory_space<hbm>>
        %dma_wait3A_24 = arith.constant 0 : i32
        %dma_wait3A_25 = tpu.memref_slice %arg4[%add3A_17, %dma_wait3A_24] : memref<331776x128xf32, #tpu.memory_space<hbm>> -> memref<128x128xf32, #tpu.memory_space<hbm>>
        tpu.wait_dma2 semaphore(%run_scoped3A : memref<!tpu.dma_semaphore, #tpu.memory_space<semaphore_mem>>) src(%arg6 : memref<128x128xf32, #tpu.memory_space<vmem>>) dst(%dma_wait3A_25 : memref<128x128xf32, #tpu.memory_space<hbm>>)
        tpu.yield
      }) : () -> ()
    }
    %scan3A_7 = arith.constant 81 : i32
    return
  }
}

#map = affine_map<(d0, d1) -> (0, 0)>
#map1 = affine_map<(d0, d1) -> (0)>
module attributes {stable_mosaic.version = 14 : i64} {
  func.func @k(%arg0: i32, %arg1: i32, %arg2: memref<331776x128xf32, #tpu.memory_space<hbm>>, %arg3: memref<331776xi32, #tpu.memory_space<hbm>>, %arg4: memref<10240x128xf32, #tpu.memory_space<hbm>>, %arg5: memref<20480x128xf32, #tpu.memory_space<hbm>>, %arg6: memref<128xi32, #tpu.memory_space<vmem>>, %arg7: memref<128x128xf32, #tpu.memory_space<vmem>>, %arg8: memref<10240x128xf32, #tpu.memory_space<vmem_shared>>) attributes {dimension_semantics = [#tpu.dimension_semantics<core_parallel>, #tpu.dimension_semantics<subcore_parallel>], iteration_bounds = array<i64: 2, 16>, scalar_prefetch = 0 : i64, scratch_operands = 3 : i64, tpu.core_type = #tpu.core_type<sc_vector_subcore>, window_params = [{transform_indices = #map}, {transform_indices = #map1}, {transform_indices = #map}, {transform_indices = #map}]} {
    %mul3A = arith.constant 2 : i32
    %mul3A_0 = arith.muli %arg1, %mul3A : i32
    %add3A = arith.addi %mul3A_0, %arg0 : i32
    %mul3A_1 = arith.constant 10368 : i32
    %mul3A_2 = arith.muli %add3A, %mul3A_1 : i32
    %mul3A_3 = arith.constant 640 : i32
    %mul3A_4 = arith.muli %arg1, %mul3A_3 : i32
    %mul3A_5 = arith.constant 640 : i32
    %mul3A_6 = arith.muli %arg1, %mul3A_5 : i32
    "tpu.region"() ({
      %run_scoped3A = tpu.sem_alloc : memref<!tpu.dma_semaphore, #tpu.memory_space<semaphore_mem>>
      %dma_start3A = arith.constant 0 : i32
      %dma_start3A_20 = tpu.memref_slice %arg8[%mul3A_6, %dma_start3A] : memref<10240x128xf32, #tpu.memory_space<vmem_shared>> -> memref<640x128xf32, #tpu.memory_space<vmem_shared>>
      %dma_start3A_21 = arith.constant 0 : i32
      %dma_start3A_22 = tpu.memref_slice %arg4[%mul3A_4, %dma_start3A_21] : memref<10240x128xf32, #tpu.memory_space<hbm>> -> memref<640x128xf32, #tpu.memory_space<hbm>>
      tpu.enqueue_dma source(%dma_start3A_22 : memref<640x128xf32, #tpu.memory_space<hbm>>) target(%dma_start3A_20 : memref<640x128xf32, #tpu.memory_space<vmem_shared>>) target_semaphore(%run_scoped3A : memref<!tpu.dma_semaphore, #tpu.memory_space<semaphore_mem>>)
      %dma_wait3A = arith.constant 0 : i32
      %dma_wait3A_23 = tpu.memref_slice %arg8[%mul3A_6, %dma_wait3A] : memref<10240x128xf32, #tpu.memory_space<vmem_shared>> -> memref<640x128xf32, #tpu.memory_space<vmem_shared>>
      %dma_wait3A_24 = arith.constant 0 : i32
      %dma_wait3A_25 = tpu.memref_slice %arg4[%mul3A_4, %dma_wait3A_24] : memref<10240x128xf32, #tpu.memory_space<hbm>> -> memref<640x128xf32, #tpu.memory_space<hbm>>
      tpu.wait_dma2 semaphore(%run_scoped3A : memref<!tpu.dma_semaphore, #tpu.memory_space<semaphore_mem>>) src(%dma_wait3A_25 : memref<640x128xf32, #tpu.memory_space<hbm>>) dst(%dma_wait3A_23 : memref<640x128xf32, #tpu.memory_space<vmem_shared>>)
      tpu.yield
    }) : () -> ()
    %barrier3A = arith.constant 0 : index
    tpu.barrier barrier_id(%barrier3A)
    %scan3A = arith.constant 0 : i32
    %scan3A_7 = arith.constant 0 : i32
    %scan3A_8 = arith.constant 81 : i32
    %scan3A_9 = arith.addi %scan3A_7, %scan3A_8 : i32
    %scan3A_10 = arith.constant 1 : i32
    scf.for %scan3A_20 = %scan3A_7 to %scan3A_9 step %scan3A_10  : i32 {
      %mul3A_21 = arith.constant 128 : i32
      %mul3A_22 = arith.muli %scan3A_20, %mul3A_21 : i32
      %add3A_23 = arith.addi %mul3A_2, %mul3A_22 : i32
      "tpu.region"() ({
        %run_scoped3A = tpu.sem_alloc : memref<!tpu.dma_semaphore, #tpu.memory_space<semaphore_mem>>
        %dma_start3A = tpu.memref_slice %arg3[%add3A_23] : memref<331776xi32, #tpu.memory_space<hbm>> -> memref<128xi32, #tpu.memory_space<hbm>>
        %dma_start3A_24 = tpu.memref_slice %arg3[%add3A_23] : memref<331776xi32, #tpu.memory_space<hbm>> -> memref<128xi32, #tpu.memory_space<hbm>>
        tpu.enqueue_dma source(%dma_start3A_24 : memref<128xi32, #tpu.memory_space<hbm>>) target(%arg6 : memref<128xi32, #tpu.memory_space<vmem>>) target_semaphore(%run_scoped3A : memref<!tpu.dma_semaphore, #tpu.memory_space<semaphore_mem>>)
        %dma_wait3A = tpu.memref_slice %arg3[%add3A_23] : memref<331776xi32, #tpu.memory_space<hbm>> -> memref<128xi32, #tpu.memory_space<hbm>>
        %dma_wait3A_25 = tpu.memref_slice %arg3[%add3A_23] : memref<331776xi32, #tpu.memory_space<hbm>> -> memref<128xi32, #tpu.memory_space<hbm>>
        tpu.wait_dma2 semaphore(%run_scoped3A : memref<!tpu.dma_semaphore, #tpu.memory_space<semaphore_mem>>) src(%dma_wait3A_25 : memref<128xi32, #tpu.memory_space<hbm>>) dst(%arg6 : memref<128xi32, #tpu.memory_space<vmem>>)
        tpu.yield
      }) : () -> ()
      "tpu.region"() ({
        %run_scoped3A = tpu.sem_alloc : memref<!tpu.dma_semaphore, #tpu.memory_space<semaphore_mem>>
        %dma_start3A = arith.constant 0 : i32
        %dma_start3A_24 = tpu.memref_slice %arg2[%add3A_23, %dma_start3A] : memref<331776x128xf32, #tpu.memory_space<hbm>> -> memref<128x128xf32, #tpu.memory_space<hbm>>
        %dma_start3A_25 = arith.constant 0 : i32
        %dma_start3A_26 = tpu.memref_slice %arg2[%add3A_23, %dma_start3A_25] : memref<331776x128xf32, #tpu.memory_space<hbm>> -> memref<128x128xf32, #tpu.memory_space<hbm>>
        tpu.enqueue_dma source(%dma_start3A_26 : memref<128x128xf32, #tpu.memory_space<hbm>>) target(%arg7 : memref<128x128xf32, #tpu.memory_space<vmem>>) target_semaphore(%run_scoped3A : memref<!tpu.dma_semaphore, #tpu.memory_space<semaphore_mem>>)
        %dma_wait3A = arith.constant 0 : i32
        %dma_wait3A_27 = tpu.memref_slice %arg2[%add3A_23, %dma_wait3A] : memref<331776x128xf32, #tpu.memory_space<hbm>> -> memref<128x128xf32, #tpu.memory_space<hbm>>
        %dma_wait3A_28 = arith.constant 0 : i32
        %dma_wait3A_29 = tpu.memref_slice %arg2[%add3A_23, %dma_wait3A_28] : memref<331776x128xf32, #tpu.memory_space<hbm>> -> memref<128x128xf32, #tpu.memory_space<hbm>>
        tpu.wait_dma2 semaphore(%run_scoped3A : memref<!tpu.dma_semaphore, #tpu.memory_space<semaphore_mem>>) src(%dma_wait3A_29 : memref<128x128xf32, #tpu.memory_space<hbm>>) dst(%arg7 : memref<128x128xf32, #tpu.memory_space<vmem>>)
        tpu.yield
      }) : () -> ()
      "tpu.region"() ({
        %run_scoped3A = tpu.sem_alloc : memref<!tpu.dma_semaphore, #tpu.memory_space<semaphore_mem>>
        %dma_start3A = arith.constant 0 : i32
        %dma_start3A_24 = arith.constant 0 : i32
        %dma_start3A_25 = tpu.memref_slice %arg8[%dma_start3A, %dma_start3A_24] : memref<10240x128xf32, #tpu.memory_space<vmem_shared>> -> memref<10240x128xf32, #tpu.memory_space<vmem_shared>>
        tpu.enqueue_indirect_dma source(%arg7 : memref<128x128xf32, #tpu.memory_space<vmem>>) target(%dma_start3A_25 : memref<10240x128xf32, #tpu.memory_space<vmem_shared>>) offsets(%arg6 : memref<128xi32, #tpu.memory_space<vmem>>) semaphore(%run_scoped3A : memref<!tpu.dma_semaphore, #tpu.memory_space<semaphore_mem>>) {add = true}
        %dma_wait3A = arith.constant 0 : i32
        %dma_wait3A_26 = arith.constant 0 : i32
        %dma_wait3A_27 = tpu.memref_slice %arg8[%dma_wait3A, %dma_wait3A_26] : memref<10240x128xf32, #tpu.memory_space<vmem_shared>> -> memref<10240x128xf32, #tpu.memory_space<vmem_shared>>
        tpu.wait_indirect_dma semaphore(%run_scoped3A : memref<!tpu.dma_semaphore, #tpu.memory_space<semaphore_mem>>) src(%arg7 : memref<128x128xf32, #tpu.memory_space<vmem>>) dst(%dma_wait3A_27 : memref<10240x128xf32, #tpu.memory_space<vmem_shared>>)
        tpu.yield
      }) : () -> ()
    }
    %scan3A_11 = arith.constant 81 : i32
    %barrier3A_12 = arith.constant 0 : index
    tpu.barrier barrier_id(%barrier3A_12)
    %mul3A_13 = arith.constant 640 : i32
    %mul3A_14 = arith.muli %arg1, %mul3A_13 : i32
    %mul3A_15 = arith.constant 10240 : i32
    %mul3A_16 = arith.muli %arg0, %mul3A_15 : i32
    %mul3A_17 = arith.constant 640 : i32
    %mul3A_18 = arith.muli %arg1, %mul3A_17 : i32
    %add3A_19 = arith.addi %mul3A_16, %mul3A_18 : i32
    "tpu.region"() ({
      %run_scoped3A = tpu.sem_alloc : memref<!tpu.dma_semaphore, #tpu.memory_space<semaphore_mem>>
      %dma_start3A = arith.constant 0 : i32
      %dma_start3A_20 = tpu.memref_slice %arg5[%add3A_19, %dma_start3A] : memref<20480x128xf32, #tpu.memory_space<hbm>> -> memref<640x128xf32, #tpu.memory_space<hbm>>
      %dma_start3A_21 = arith.constant 0 : i32
      %dma_start3A_22 = tpu.memref_slice %arg8[%mul3A_14, %dma_start3A_21] : memref<10240x128xf32, #tpu.memory_space<vmem_shared>> -> memref<640x128xf32, #tpu.memory_space<vmem_shared>>
      tpu.enqueue_dma source(%dma_start3A_22 : memref<640x128xf32, #tpu.memory_space<vmem_shared>>) target(%dma_start3A_20 : memref<640x128xf32, #tpu.memory_space<hbm>>) target_semaphore(%run_scoped3A : memref<!tpu.dma_semaphore, #tpu.memory_space<semaphore_mem>>)
      %dma_wait3A = arith.constant 0 : i32
      %dma_wait3A_23 = tpu.memref_slice %arg5[%add3A_19, %dma_wait3A] : memref<20480x128xf32, #tpu.memory_space<hbm>> -> memref<640x128xf32, #tpu.memory_space<hbm>>
      %dma_wait3A_24 = arith.constant 0 : i32
      %dma_wait3A_25 = tpu.memref_slice %arg8[%mul3A_14, %dma_wait3A_24] : memref<10240x128xf32, #tpu.memory_space<vmem_shared>> -> memref<640x128xf32, #tpu.memory_space<vmem_shared>>
      tpu.wait_dma2 semaphore(%run_scoped3A : memref<!tpu.dma_semaphore, #tpu.memory_space<semaphore_mem>>) src(%dma_wait3A_25 : memref<640x128xf32, #tpu.memory_space<vmem_shared>>) dst(%dma_wait3A_23 : memref<640x128xf32, #tpu.memory_space<hbm>>)
      tpu.yield
    }) : () -> ()
    return
  }
}

#map = affine_map<(d0, d1) -> (0, 0)>
#map1 = affine_map<(d0, d1) -> (0)>
module attributes {stable_mosaic.version = 14 : i64} {
  func.func @k(%arg0: i32, %arg1: i32, %arg2: memref<323584x128xf32, #tpu.memory_space<hbm>>, %arg3: memref<323584xi32, #tpu.memory_space<hbm>>, %arg4: memref<10240x128xf32, #tpu.memory_space<hbm>>, %arg5: memref<20480x128xf32, #tpu.memory_space<hbm>>, %arg6: memref<128xi32, #tpu.memory_space<vmem>>, %arg7: memref<128x128xf32, #tpu.memory_space<vmem>>, %arg8: memref<10240x128xf32, #tpu.memory_space<vmem_shared>>) attributes {dimension_semantics = [#tpu.dimension_semantics<core_parallel>, #tpu.dimension_semantics<subcore_parallel>], iteration_bounds = array<i64: 2, 16>, scalar_prefetch = 0 : i64, scratch_operands = 3 : i64, tpu.core_type = #tpu.core_type<sc_vector_subcore>, window_params = [{transform_indices = #map}, {transform_indices = #map1}, {transform_indices = #map}, {transform_indices = #map}]} {
    %mul3A = arith.constant 2 : i32
    %mul3A_0 = arith.muli %arg1, %mul3A : i32
    %add3A = arith.addi %mul3A_0, %arg0 : i32
    %mul3A_1 = arith.constant 10112 : i32
    %mul3A_2 = arith.muli %add3A, %mul3A_1 : i32
    %mul3A_3 = arith.constant 640 : i32
    %mul3A_4 = arith.muli %arg1, %mul3A_3 : i32
    %mul3A_5 = arith.constant 640 : i32
    %mul3A_6 = arith.muli %arg1, %mul3A_5 : i32
    "tpu.region"() ({
      %run_scoped3A = tpu.sem_alloc : memref<!tpu.dma_semaphore, #tpu.memory_space<semaphore_mem>>
      %dma_start3A = arith.constant 0 : i32
      %dma_start3A_20 = tpu.memref_slice %arg8[%mul3A_6, %dma_start3A] : memref<10240x128xf32, #tpu.memory_space<vmem_shared>> -> memref<640x128xf32, #tpu.memory_space<vmem_shared>>
      %dma_start3A_21 = arith.constant 0 : i32
      %dma_start3A_22 = tpu.memref_slice %arg4[%mul3A_4, %dma_start3A_21] : memref<10240x128xf32, #tpu.memory_space<hbm>> -> memref<640x128xf32, #tpu.memory_space<hbm>>
      tpu.enqueue_dma source(%dma_start3A_22 : memref<640x128xf32, #tpu.memory_space<hbm>>) target(%dma_start3A_20 : memref<640x128xf32, #tpu.memory_space<vmem_shared>>) target_semaphore(%run_scoped3A : memref<!tpu.dma_semaphore, #tpu.memory_space<semaphore_mem>>)
      %dma_wait3A = arith.constant 0 : i32
      %dma_wait3A_23 = tpu.memref_slice %arg8[%mul3A_6, %dma_wait3A] : memref<10240x128xf32, #tpu.memory_space<vmem_shared>> -> memref<640x128xf32, #tpu.memory_space<vmem_shared>>
      %dma_wait3A_24 = arith.constant 0 : i32
      %dma_wait3A_25 = tpu.memref_slice %arg4[%mul3A_4, %dma_wait3A_24] : memref<10240x128xf32, #tpu.memory_space<hbm>> -> memref<640x128xf32, #tpu.memory_space<hbm>>
      tpu.wait_dma2 semaphore(%run_scoped3A : memref<!tpu.dma_semaphore, #tpu.memory_space<semaphore_mem>>) src(%dma_wait3A_25 : memref<640x128xf32, #tpu.memory_space<hbm>>) dst(%dma_wait3A_23 : memref<640x128xf32, #tpu.memory_space<vmem_shared>>)
      tpu.yield
    }) : () -> ()
    %barrier3A = arith.constant 0 : index
    tpu.barrier barrier_id(%barrier3A)
    %scan3A = arith.constant 0 : i32
    %scan3A_7 = arith.constant 0 : i32
    %scan3A_8 = arith.constant 79 : i32
    %scan3A_9 = arith.addi %scan3A_7, %scan3A_8 : i32
    %scan3A_10 = arith.constant 1 : i32
    scf.for %scan3A_20 = %scan3A_7 to %scan3A_9 step %scan3A_10  : i32 {
      %mul3A_21 = arith.constant 128 : i32
      %mul3A_22 = arith.muli %scan3A_20, %mul3A_21 : i32
      %add3A_23 = arith.addi %mul3A_2, %mul3A_22 : i32
      "tpu.region"() ({
        %run_scoped3A = tpu.sem_alloc : memref<!tpu.dma_semaphore, #tpu.memory_space<semaphore_mem>>
        %dma_start3A = tpu.memref_slice %arg3[%add3A_23] : memref<323584xi32, #tpu.memory_space<hbm>> -> memref<128xi32, #tpu.memory_space<hbm>>
        %dma_start3A_24 = tpu.memref_slice %arg3[%add3A_23] : memref<323584xi32, #tpu.memory_space<hbm>> -> memref<128xi32, #tpu.memory_space<hbm>>
        tpu.enqueue_dma source(%dma_start3A_24 : memref<128xi32, #tpu.memory_space<hbm>>) target(%arg6 : memref<128xi32, #tpu.memory_space<vmem>>) target_semaphore(%run_scoped3A : memref<!tpu.dma_semaphore, #tpu.memory_space<semaphore_mem>>)
        %dma_wait3A = tpu.memref_slice %arg3[%add3A_23] : memref<323584xi32, #tpu.memory_space<hbm>> -> memref<128xi32, #tpu.memory_space<hbm>>
        %dma_wait3A_25 = tpu.memref_slice %arg3[%add3A_23] : memref<323584xi32, #tpu.memory_space<hbm>> -> memref<128xi32, #tpu.memory_space<hbm>>
        tpu.wait_dma2 semaphore(%run_scoped3A : memref<!tpu.dma_semaphore, #tpu.memory_space<semaphore_mem>>) src(%dma_wait3A_25 : memref<128xi32, #tpu.memory_space<hbm>>) dst(%arg6 : memref<128xi32, #tpu.memory_space<vmem>>)
        tpu.yield
      }) : () -> ()
      "tpu.region"() ({
        %run_scoped3A = tpu.sem_alloc : memref<!tpu.dma_semaphore, #tpu.memory_space<semaphore_mem>>
        %dma_start3A = arith.constant 0 : i32
        %dma_start3A_24 = tpu.memref_slice %arg2[%add3A_23, %dma_start3A] : memref<323584x128xf32, #tpu.memory_space<hbm>> -> memref<128x128xf32, #tpu.memory_space<hbm>>
        %dma_start3A_25 = arith.constant 0 : i32
        %dma_start3A_26 = tpu.memref_slice %arg2[%add3A_23, %dma_start3A_25] : memref<323584x128xf32, #tpu.memory_space<hbm>> -> memref<128x128xf32, #tpu.memory_space<hbm>>
        tpu.enqueue_dma source(%dma_start3A_26 : memref<128x128xf32, #tpu.memory_space<hbm>>) target(%arg7 : memref<128x128xf32, #tpu.memory_space<vmem>>) target_semaphore(%run_scoped3A : memref<!tpu.dma_semaphore, #tpu.memory_space<semaphore_mem>>)
        %dma_wait3A = arith.constant 0 : i32
        %dma_wait3A_27 = tpu.memref_slice %arg2[%add3A_23, %dma_wait3A] : memref<323584x128xf32, #tpu.memory_space<hbm>> -> memref<128x128xf32, #tpu.memory_space<hbm>>
        %dma_wait3A_28 = arith.constant 0 : i32
        %dma_wait3A_29 = tpu.memref_slice %arg2[%add3A_23, %dma_wait3A_28] : memref<323584x128xf32, #tpu.memory_space<hbm>> -> memref<128x128xf32, #tpu.memory_space<hbm>>
        tpu.wait_dma2 semaphore(%run_scoped3A : memref<!tpu.dma_semaphore, #tpu.memory_space<semaphore_mem>>) src(%dma_wait3A_29 : memref<128x128xf32, #tpu.memory_space<hbm>>) dst(%arg7 : memref<128x128xf32, #tpu.memory_space<vmem>>)
        tpu.yield
      }) : () -> ()
      "tpu.region"() ({
        %run_scoped3A = tpu.sem_alloc : memref<!tpu.dma_semaphore, #tpu.memory_space<semaphore_mem>>
        %dma_start3A = arith.constant 0 : i32
        %dma_start3A_24 = arith.constant 0 : i32
        %dma_start3A_25 = tpu.memref_slice %arg8[%dma_start3A, %dma_start3A_24] : memref<10240x128xf32, #tpu.memory_space<vmem_shared>> -> memref<10240x128xf32, #tpu.memory_space<vmem_shared>>
        tpu.enqueue_indirect_dma source(%arg7 : memref<128x128xf32, #tpu.memory_space<vmem>>) target(%dma_start3A_25 : memref<10240x128xf32, #tpu.memory_space<vmem_shared>>) offsets(%arg6 : memref<128xi32, #tpu.memory_space<vmem>>) semaphore(%run_scoped3A : memref<!tpu.dma_semaphore, #tpu.memory_space<semaphore_mem>>) {add = true}
        %dma_wait3A = arith.constant 0 : i32
        %dma_wait3A_26 = arith.constant 0 : i32
        %dma_wait3A_27 = tpu.memref_slice %arg8[%dma_wait3A, %dma_wait3A_26] : memref<10240x128xf32, #tpu.memory_space<vmem_shared>> -> memref<10240x128xf32, #tpu.memory_space<vmem_shared>>
        tpu.wait_indirect_dma semaphore(%run_scoped3A : memref<!tpu.dma_semaphore, #tpu.memory_space<semaphore_mem>>) src(%arg7 : memref<128x128xf32, #tpu.memory_space<vmem>>) dst(%dma_wait3A_27 : memref<10240x128xf32, #tpu.memory_space<vmem_shared>>)
        tpu.yield
      }) : () -> ()
    }
    %scan3A_11 = arith.constant 79 : i32
    %barrier3A_12 = arith.constant 0 : index
    tpu.barrier barrier_id(%barrier3A_12)
    %mul3A_13 = arith.constant 640 : i32
    %mul3A_14 = arith.muli %arg1, %mul3A_13 : i32
    %mul3A_15 = arith.constant 10240 : i32
    %mul3A_16 = arith.muli %arg0, %mul3A_15 : i32
    %mul3A_17 = arith.constant 640 : i32
    %mul3A_18 = arith.muli %arg1, %mul3A_17 : i32
    %add3A_19 = arith.addi %mul3A_16, %mul3A_18 : i32
    "tpu.region"() ({
      %run_scoped3A = tpu.sem_alloc : memref<!tpu.dma_semaphore, #tpu.memory_space<semaphore_mem>>
      %dma_start3A = arith.constant 0 : i32
      %dma_start3A_20 = tpu.memref_slice %arg5[%add3A_19, %dma_start3A] : memref<20480x128xf32, #tpu.memory_space<hbm>> -> memref<640x128xf32, #tpu.memory_space<hbm>>
      %dma_start3A_21 = arith.constant 0 : i32
      %dma_start3A_22 = tpu.memref_slice %arg8[%mul3A_14, %dma_start3A_21] : memref<10240x128xf32, #tpu.memory_space<vmem_shared>> -> memref<640x128xf32, #tpu.memory_space<vmem_shared>>
      tpu.enqueue_dma source(%dma_start3A_22 : memref<640x128xf32, #tpu.memory_space<vmem_shared>>) target(%dma_start3A_20 : memref<640x128xf32, #tpu.memory_space<hbm>>) target_semaphore(%run_scoped3A : memref<!tpu.dma_semaphore, #tpu.memory_space<semaphore_mem>>)
      %dma_wait3A = arith.constant 0 : i32
      %dma_wait3A_23 = tpu.memref_slice %arg5[%add3A_19, %dma_wait3A] : memref<20480x128xf32, #tpu.memory_space<hbm>> -> memref<640x128xf32, #tpu.memory_space<hbm>>
      %dma_wait3A_24 = arith.constant 0 : i32
      %dma_wait3A_25 = tpu.memref_slice %arg8[%mul3A_14, %dma_wait3A_24] : memref<10240x128xf32, #tpu.memory_space<vmem_shared>> -> memref<640x128xf32, #tpu.memory_space<vmem_shared>>
      tpu.wait_dma2 semaphore(%run_scoped3A : memref<!tpu.dma_semaphore, #tpu.memory_space<semaphore_mem>>) src(%dma_wait3A_25 : memref<640x128xf32, #tpu.memory_space<vmem_shared>>) dst(%dma_wait3A_23 : memref<640x128xf32, #tpu.memory_space<hbm>>)
      tpu.yield
    }) : () -> ()
    return
  }
}

#map = affine_map<(d0, d1) -> (0, 0)>
#map1 = affine_map<(d0, d1) -> (0)>
module attributes {stable_mosaic.version = 14 : i64} {
  func.func @k(%arg0: i32, %arg1: i32, %arg2: memref<10240x128xf32, #tpu.memory_space<hbm>>, %arg3: memref<331776xi32, #tpu.memory_space<hbm>>, %arg4: memref<331776x128xf32, #tpu.memory_space<hbm>>, %arg5: memref<10368xi32, #tpu.memory_space<vmem>>, %arg6: memref<128x128xf32, #tpu.memory_space<vmem>>, %arg7: memref<!tpu.dma_semaphore, #tpu.memory_space<semaphore_mem>>) attributes {dimension_semantics = [#tpu.dimension_semantics<core_parallel>, #tpu.dimension_semantics<subcore_parallel>], iteration_bounds = array<i64: 2, 16>, scalar_prefetch = 0 : i64, scratch_operands = 3 : i64, tpu.core_type = #tpu.core_type<sc_vector_subcore>, window_params = [{transform_indices = #map}, {transform_indices = #map1}, {transform_indices = #map}]} {
    %mul3A = arith.constant 2 : i32
    %mul3A_0 = arith.muli %arg1, %mul3A : i32
    %add3A = arith.addi %mul3A_0, %arg0 : i32
    %mul3A_1 = arith.constant 10368 : i32
    %mul3A_2 = arith.muli %add3A, %mul3A_1 : i32
    "tpu.region"() ({
      %run_scoped3A = tpu.sem_alloc : memref<!tpu.dma_semaphore, #tpu.memory_space<semaphore_mem>>
      %dma_start3A = tpu.memref_slice %arg3[%mul3A_2] : memref<331776xi32, #tpu.memory_space<hbm>> -> memref<10368xi32, #tpu.memory_space<hbm>>
      %dma_start3A_8 = tpu.memref_slice %arg3[%mul3A_2] : memref<331776xi32, #tpu.memory_space<hbm>> -> memref<10368xi32, #tpu.memory_space<hbm>>
      tpu.enqueue_dma source(%dma_start3A_8 : memref<10368xi32, #tpu.memory_space<hbm>>) target(%arg5 : memref<10368xi32, #tpu.memory_space<vmem>>) target_semaphore(%run_scoped3A : memref<!tpu.dma_semaphore, #tpu.memory_space<semaphore_mem>>)
      %dma_wait3A = tpu.memref_slice %arg3[%mul3A_2] : memref<331776xi32, #tpu.memory_space<hbm>> -> memref<10368xi32, #tpu.memory_space<hbm>>
      %dma_wait3A_9 = tpu.memref_slice %arg3[%mul3A_2] : memref<331776xi32, #tpu.memory_space<hbm>> -> memref<10368xi32, #tpu.memory_space<hbm>>
      tpu.wait_dma2 semaphore(%run_scoped3A : memref<!tpu.dma_semaphore, #tpu.memory_space<semaphore_mem>>) src(%dma_wait3A_9 : memref<10368xi32, #tpu.memory_space<hbm>>) dst(%arg5 : memref<10368xi32, #tpu.memory_space<vmem>>)
      tpu.yield
    }) : () -> ()
    %scan3A = arith.constant 0 : i32
    %scan3A_3 = arith.constant 0 : i32
    %scan3A_4 = arith.constant 81 : i32
    %scan3A_5 = arith.addi %scan3A_3, %scan3A_4 : i32
    %scan3A_6 = arith.constant 1 : i32
    scf.for %scan3A_8 = %scan3A_3 to %scan3A_5 step %scan3A_6  : i32 {
      %mul3A_9 = arith.constant 128 : i32
      %mul3A_10 = arith.muli %scan3A_8, %mul3A_9 : i32
      %dma_start3A = tpu.memref_slice %arg5[%mul3A_10] : memref<10368xi32, #tpu.memory_space<vmem>> -> memref<128xi32, #tpu.memory_space<vmem>>
      %dma_start3A_11 = arith.constant 0 : i32
      %dma_start3A_12 = arith.constant 0 : i32
      %dma_start3A_13 = tpu.memref_slice %arg2[%dma_start3A_11, %dma_start3A_12] : memref<10240x128xf32, #tpu.memory_space<hbm>> -> memref<10240x128xf32, #tpu.memory_space<hbm>>
      tpu.enqueue_indirect_dma source(%dma_start3A_13 : memref<10240x128xf32, #tpu.memory_space<hbm>>) target(%arg6 : memref<128x128xf32, #tpu.memory_space<vmem>>) offsets(%dma_start3A : memref<128xi32, #tpu.memory_space<vmem>>) semaphore(%arg7 : memref<!tpu.dma_semaphore, #tpu.memory_space<semaphore_mem>>)
      %dma_wait3A = tpu.memref_slice %arg5[%mul3A_10] : memref<10368xi32, #tpu.memory_space<vmem>> -> memref<128xi32, #tpu.memory_space<vmem>>
      %dma_wait3A_14 = arith.constant 0 : i32
      %dma_wait3A_15 = arith.constant 0 : i32
      %dma_wait3A_16 = tpu.memref_slice %arg2[%dma_wait3A_14, %dma_wait3A_15] : memref<10240x128xf32, #tpu.memory_space<hbm>> -> memref<10240x128xf32, #tpu.memory_space<hbm>>
      tpu.wait_indirect_dma semaphore(%arg7 : memref<!tpu.dma_semaphore, #tpu.memory_space<semaphore_mem>>) src(%dma_wait3A_16 : memref<10240x128xf32, #tpu.memory_space<hbm>>) dst(%arg6 : memref<128x128xf32, #tpu.memory_space<vmem>>)
      %add3A_17 = arith.addi %mul3A_2, %mul3A_10 : i32
      "tpu.region"() ({
        %run_scoped3A = tpu.sem_alloc : memref<!tpu.dma_semaphore, #tpu.memory_space<semaphore_mem>>
        %dma_start3A_18 = arith.constant 0 : i32
        %dma_start3A_19 = tpu.memref_slice %arg4[%add3A_17, %dma_start3A_18] : memref<331776x128xf32, #tpu.memory_space<hbm>> -> memref<128x128xf32, #tpu.memory_space<hbm>>
        %dma_start3A_20 = arith.constant 0 : i32
        %dma_start3A_21 = tpu.memref_slice %arg4[%add3A_17, %dma_start3A_20] : memref<331776x128xf32, #tpu.memory_space<hbm>> -> memref<128x128xf32, #tpu.memory_space<hbm>>
        tpu.enqueue_dma source(%arg6 : memref<128x128xf32, #tpu.memory_space<vmem>>) target(%dma_start3A_21 : memref<128x128xf32, #tpu.memory_space<hbm>>) target_semaphore(%run_scoped3A : memref<!tpu.dma_semaphore, #tpu.memory_space<semaphore_mem>>)
        %dma_wait3A_22 = arith.constant 0 : i32
        %dma_wait3A_23 = tpu.memref_slice %arg4[%add3A_17, %dma_wait3A_22] : memref<331776x128xf32, #tpu.memory_space<hbm>> -> memref<128x128xf32, #tpu.memory_space<hbm>>
        %dma_wait3A_24 = arith.constant 0 : i32
        %dma_wait3A_25 = tpu.memref_slice %arg4[%add3A_17, %dma_wait3A_24] : memref<331776x128xf32, #tpu.memory_space<hbm>> -> memref<128x128xf32, #tpu.memory_space<hbm>>
        tpu.wait_dma2 semaphore(%run_scoped3A : memref<!tpu.dma_semaphore, #tpu.memory_space<semaphore_mem>>) src(%arg6 : memref<128x128xf32, #tpu.memory_space<vmem>>) dst(%dma_wait3A_25 : memref<128x128xf32, #tpu.memory_space<hbm>>)
        tpu.yield
      }) : () -> ()
    }
    %scan3A_7 = arith.constant 81 : i32
    return
  }
}

#map = affine_map<(d0, d1) -> (0, 0)>
#map1 = affine_map<(d0, d1) -> (0)>
module attributes {stable_mosaic.version = 14 : i64} {
  func.func @k(%arg0: i32, %arg1: i32, %arg2: memref<10240x128xf32, #tpu.memory_space<hbm>>, %arg3: memref<331776xi32, #tpu.memory_space<hbm>>, %arg4: memref<331776x128xf32, #tpu.memory_space<hbm>>, %arg5: memref<10368xi32, #tpu.memory_space<vmem>>, %arg6: memref<128x128xf32, #tpu.memory_space<vmem>>, %arg7: memref<!tpu.dma_semaphore, #tpu.memory_space<semaphore_mem>>) attributes {dimension_semantics = [#tpu.dimension_semantics<core_parallel>, #tpu.dimension_semantics<subcore_parallel>], iteration_bounds = array<i64: 2, 16>, scalar_prefetch = 0 : i64, scratch_operands = 3 : i64, tpu.core_type = #tpu.core_type<sc_vector_subcore>, window_params = [{transform_indices = #map}, {transform_indices = #map1}, {transform_indices = #map}]} {
    %mul3A = arith.constant 2 : i32
    %mul3A_0 = arith.muli %arg1, %mul3A : i32
    %add3A = arith.addi %mul3A_0, %arg0 : i32
    %mul3A_1 = arith.constant 10368 : i32
    %mul3A_2 = arith.muli %add3A, %mul3A_1 : i32
    "tpu.region"() ({
      %run_scoped3A = tpu.sem_alloc : memref<!tpu.dma_semaphore, #tpu.memory_space<semaphore_mem>>
      %dma_start3A = tpu.memref_slice %arg3[%mul3A_2] : memref<331776xi32, #tpu.memory_space<hbm>> -> memref<10368xi32, #tpu.memory_space<hbm>>
      %dma_start3A_8 = tpu.memref_slice %arg3[%mul3A_2] : memref<331776xi32, #tpu.memory_space<hbm>> -> memref<10368xi32, #tpu.memory_space<hbm>>
      tpu.enqueue_dma source(%dma_start3A_8 : memref<10368xi32, #tpu.memory_space<hbm>>) target(%arg5 : memref<10368xi32, #tpu.memory_space<vmem>>) target_semaphore(%run_scoped3A : memref<!tpu.dma_semaphore, #tpu.memory_space<semaphore_mem>>)
      %dma_wait3A = tpu.memref_slice %arg3[%mul3A_2] : memref<331776xi32, #tpu.memory_space<hbm>> -> memref<10368xi32, #tpu.memory_space<hbm>>
      %dma_wait3A_9 = tpu.memref_slice %arg3[%mul3A_2] : memref<331776xi32, #tpu.memory_space<hbm>> -> memref<10368xi32, #tpu.memory_space<hbm>>
      tpu.wait_dma2 semaphore(%run_scoped3A : memref<!tpu.dma_semaphore, #tpu.memory_space<semaphore_mem>>) src(%dma_wait3A_9 : memref<10368xi32, #tpu.memory_space<hbm>>) dst(%arg5 : memref<10368xi32, #tpu.memory_space<vmem>>)
      tpu.yield
    }) : () -> ()
    %scan3A = arith.constant 0 : i32
    %scan3A_3 = arith.constant 0 : i32
    %scan3A_4 = arith.constant 81 : i32
    %scan3A_5 = arith.addi %scan3A_3, %scan3A_4 : i32
    %scan3A_6 = arith.constant 1 : i32
    scf.for %scan3A_8 = %scan3A_3 to %scan3A_5 step %scan3A_6  : i32 {
      %mul3A_9 = arith.constant 128 : i32
      %mul3A_10 = arith.muli %scan3A_8, %mul3A_9 : i32
      %dma_start3A = tpu.memref_slice %arg5[%mul3A_10] : memref<10368xi32, #tpu.memory_space<vmem>> -> memref<128xi32, #tpu.memory_space<vmem>>
      %dma_start3A_11 = arith.constant 0 : i32
      %dma_start3A_12 = arith.constant 0 : i32
      %dma_start3A_13 = tpu.memref_slice %arg2[%dma_start3A_11, %dma_start3A_12] : memref<10240x128xf32, #tpu.memory_space<hbm>> -> memref<10240x128xf32, #tpu.memory_space<hbm>>
      tpu.enqueue_indirect_dma source(%dma_start3A_13 : memref<10240x128xf32, #tpu.memory_space<hbm>>) target(%arg6 : memref<128x128xf32, #tpu.memory_space<vmem>>) offsets(%dma_start3A : memref<128xi32, #tpu.memory_space<vmem>>) semaphore(%arg7 : memref<!tpu.dma_semaphore, #tpu.memory_space<semaphore_mem>>)
      %dma_wait3A = tpu.memref_slice %arg5[%mul3A_10] : memref<10368xi32, #tpu.memory_space<vmem>> -> memref<128xi32, #tpu.memory_space<vmem>>
      %dma_wait3A_14 = arith.constant 0 : i32
      %dma_wait3A_15 = arith.constant 0 : i32
      %dma_wait3A_16 = tpu.memref_slice %arg2[%dma_wait3A_14, %dma_wait3A_15] : memref<10240x128xf32, #tpu.memory_space<hbm>> -> memref<10240x128xf32, #tpu.memory_space<hbm>>
      tpu.wait_indirect_dma semaphore(%arg7 : memref<!tpu.dma_semaphore, #tpu.memory_space<semaphore_mem>>) src(%dma_wait3A_16 : memref<10240x128xf32, #tpu.memory_space<hbm>>) dst(%arg6 : memref<128x128xf32, #tpu.memory_space<vmem>>)
      %add3A_17 = arith.addi %mul3A_2, %mul3A_10 : i32
      "tpu.region"() ({
        %run_scoped3A = tpu.sem_alloc : memref<!tpu.dma_semaphore, #tpu.memory_space<semaphore_mem>>
        %dma_start3A_18 = arith.constant 0 : i32
        %dma_start3A_19 = tpu.memref_slice %arg4[%add3A_17, %dma_start3A_18] : memref<331776x128xf32, #tpu.memory_space<hbm>> -> memref<128x128xf32, #tpu.memory_space<hbm>>
        %dma_start3A_20 = arith.constant 0 : i32
        %dma_start3A_21 = tpu.memref_slice %arg4[%add3A_17, %dma_start3A_20] : memref<331776x128xf32, #tpu.memory_space<hbm>> -> memref<128x128xf32, #tpu.memory_space<hbm>>
        tpu.enqueue_dma source(%arg6 : memref<128x128xf32, #tpu.memory_space<vmem>>) target(%dma_start3A_21 : memref<128x128xf32, #tpu.memory_space<hbm>>) target_semaphore(%run_scoped3A : memref<!tpu.dma_semaphore, #tpu.memory_space<semaphore_mem>>)
        %dma_wait3A_22 = arith.constant 0 : i32
        %dma_wait3A_23 = tpu.memref_slice %arg4[%add3A_17, %dma_wait3A_22] : memref<331776x128xf32, #tpu.memory_space<hbm>> -> memref<128x128xf32, #tpu.memory_space<hbm>>
        %dma_wait3A_24 = arith.constant 0 : i32
        %dma_wait3A_25 = tpu.memref_slice %arg4[%add3A_17, %dma_wait3A_24] : memref<331776x128xf32, #tpu.memory_space<hbm>> -> memref<128x128xf32, #tpu.memory_space<hbm>>
        tpu.wait_dma2 semaphore(%run_scoped3A : memref<!tpu.dma_semaphore, #tpu.memory_space<semaphore_mem>>) src(%arg6 : memref<128x128xf32, #tpu.memory_space<vmem>>) dst(%dma_wait3A_25 : memref<128x128xf32, #tpu.memory_space<hbm>>)
        tpu.yield
      }) : () -> ()
    }
    %scan3A_7 = arith.constant 81 : i32
    return
  }
}

#map = affine_map<(d0, d1) -> (0, 0)>
#map1 = affine_map<(d0, d1) -> (0)>
module attributes {stable_mosaic.version = 14 : i64} {
  func.func @k(%arg0: i32, %arg1: i32, %arg2: memref<331776x128xf32, #tpu.memory_space<hbm>>, %arg3: memref<331776xi32, #tpu.memory_space<hbm>>, %arg4: memref<10240x128xf32, #tpu.memory_space<hbm>>, %arg5: memref<20480x128xf32, #tpu.memory_space<hbm>>, %arg6: memref<128xi32, #tpu.memory_space<vmem>>, %arg7: memref<128x128xf32, #tpu.memory_space<vmem>>, %arg8: memref<10240x128xf32, #tpu.memory_space<vmem_shared>>) attributes {dimension_semantics = [#tpu.dimension_semantics<core_parallel>, #tpu.dimension_semantics<subcore_parallel>], iteration_bounds = array<i64: 2, 16>, scalar_prefetch = 0 : i64, scratch_operands = 3 : i64, tpu.core_type = #tpu.core_type<sc_vector_subcore>, window_params = [{transform_indices = #map}, {transform_indices = #map1}, {transform_indices = #map}, {transform_indices = #map}]} {
    %mul3A = arith.constant 2 : i32
    %mul3A_0 = arith.muli %arg1, %mul3A : i32
    %add3A = arith.addi %mul3A_0, %arg0 : i32
    %mul3A_1 = arith.constant 10368 : i32
    %mul3A_2 = arith.muli %add3A, %mul3A_1 : i32
    %mul3A_3 = arith.constant 640 : i32
    %mul3A_4 = arith.muli %arg1, %mul3A_3 : i32
    %mul3A_5 = arith.constant 640 : i32
    %mul3A_6 = arith.muli %arg1, %mul3A_5 : i32
    "tpu.region"() ({
      %run_scoped3A = tpu.sem_alloc : memref<!tpu.dma_semaphore, #tpu.memory_space<semaphore_mem>>
      %dma_start3A = arith.constant 0 : i32
      %dma_start3A_20 = tpu.memref_slice %arg8[%mul3A_6, %dma_start3A] : memref<10240x128xf32, #tpu.memory_space<vmem_shared>> -> memref<640x128xf32, #tpu.memory_space<vmem_shared>>
      %dma_start3A_21 = arith.constant 0 : i32
      %dma_start3A_22 = tpu.memref_slice %arg4[%mul3A_4, %dma_start3A_21] : memref<10240x128xf32, #tpu.memory_space<hbm>> -> memref<640x128xf32, #tpu.memory_space<hbm>>
      tpu.enqueue_dma source(%dma_start3A_22 : memref<640x128xf32, #tpu.memory_space<hbm>>) target(%dma_start3A_20 : memref<640x128xf32, #tpu.memory_space<vmem_shared>>) target_semaphore(%run_scoped3A : memref<!tpu.dma_semaphore, #tpu.memory_space<semaphore_mem>>)
      %dma_wait3A = arith.constant 0 : i32
      %dma_wait3A_23 = tpu.memref_slice %arg8[%mul3A_6, %dma_wait3A] : memref<10240x128xf32, #tpu.memory_space<vmem_shared>> -> memref<640x128xf32, #tpu.memory_space<vmem_shared>>
      %dma_wait3A_24 = arith.constant 0 : i32
      %dma_wait3A_25 = tpu.memref_slice %arg4[%mul3A_4, %dma_wait3A_24] : memref<10240x128xf32, #tpu.memory_space<hbm>> -> memref<640x128xf32, #tpu.memory_space<hbm>>
      tpu.wait_dma2 semaphore(%run_scoped3A : memref<!tpu.dma_semaphore, #tpu.memory_space<semaphore_mem>>) src(%dma_wait3A_25 : memref<640x128xf32, #tpu.memory_space<hbm>>) dst(%dma_wait3A_23 : memref<640x128xf32, #tpu.memory_space<vmem_shared>>)
      tpu.yield
    }) : () -> ()
    %barrier3A = arith.constant 0 : index
    tpu.barrier barrier_id(%barrier3A)
    %scan3A = arith.constant 0 : i32
    %scan3A_7 = arith.constant 0 : i32
    %scan3A_8 = arith.constant 81 : i32
    %scan3A_9 = arith.addi %scan3A_7, %scan3A_8 : i32
    %scan3A_10 = arith.constant 1 : i32
    scf.for %scan3A_20 = %scan3A_7 to %scan3A_9 step %scan3A_10  : i32 {
      %mul3A_21 = arith.constant 128 : i32
      %mul3A_22 = arith.muli %scan3A_20, %mul3A_21 : i32
      %add3A_23 = arith.addi %mul3A_2, %mul3A_22 : i32
      "tpu.region"() ({
        %run_scoped3A = tpu.sem_alloc : memref<!tpu.dma_semaphore, #tpu.memory_space<semaphore_mem>>
        %dma_start3A = tpu.memref_slice %arg3[%add3A_23] : memref<331776xi32, #tpu.memory_space<hbm>> -> memref<128xi32, #tpu.memory_space<hbm>>
        %dma_start3A_24 = tpu.memref_slice %arg3[%add3A_23] : memref<331776xi32, #tpu.memory_space<hbm>> -> memref<128xi32, #tpu.memory_space<hbm>>
        tpu.enqueue_dma source(%dma_start3A_24 : memref<128xi32, #tpu.memory_space<hbm>>) target(%arg6 : memref<128xi32, #tpu.memory_space<vmem>>) target_semaphore(%run_scoped3A : memref<!tpu.dma_semaphore, #tpu.memory_space<semaphore_mem>>)
        %dma_wait3A = tpu.memref_slice %arg3[%add3A_23] : memref<331776xi32, #tpu.memory_space<hbm>> -> memref<128xi32, #tpu.memory_space<hbm>>
        %dma_wait3A_25 = tpu.memref_slice %arg3[%add3A_23] : memref<331776xi32, #tpu.memory_space<hbm>> -> memref<128xi32, #tpu.memory_space<hbm>>
        tpu.wait_dma2 semaphore(%run_scoped3A : memref<!tpu.dma_semaphore, #tpu.memory_space<semaphore_mem>>) src(%dma_wait3A_25 : memref<128xi32, #tpu.memory_space<hbm>>) dst(%arg6 : memref<128xi32, #tpu.memory_space<vmem>>)
        tpu.yield
      }) : () -> ()
      "tpu.region"() ({
        %run_scoped3A = tpu.sem_alloc : memref<!tpu.dma_semaphore, #tpu.memory_space<semaphore_mem>>
        %dma_start3A = arith.constant 0 : i32
        %dma_start3A_24 = tpu.memref_slice %arg2[%add3A_23, %dma_start3A] : memref<331776x128xf32, #tpu.memory_space<hbm>> -> memref<128x128xf32, #tpu.memory_space<hbm>>
        %dma_start3A_25 = arith.constant 0 : i32
        %dma_start3A_26 = tpu.memref_slice %arg2[%add3A_23, %dma_start3A_25] : memref<331776x128xf32, #tpu.memory_space<hbm>> -> memref<128x128xf32, #tpu.memory_space<hbm>>
        tpu.enqueue_dma source(%dma_start3A_26 : memref<128x128xf32, #tpu.memory_space<hbm>>) target(%arg7 : memref<128x128xf32, #tpu.memory_space<vmem>>) target_semaphore(%run_scoped3A : memref<!tpu.dma_semaphore, #tpu.memory_space<semaphore_mem>>)
        %dma_wait3A = arith.constant 0 : i32
        %dma_wait3A_27 = tpu.memref_slice %arg2[%add3A_23, %dma_wait3A] : memref<331776x128xf32, #tpu.memory_space<hbm>> -> memref<128x128xf32, #tpu.memory_space<hbm>>
        %dma_wait3A_28 = arith.constant 0 : i32
        %dma_wait3A_29 = tpu.memref_slice %arg2[%add3A_23, %dma_wait3A_28] : memref<331776x128xf32, #tpu.memory_space<hbm>> -> memref<128x128xf32, #tpu.memory_space<hbm>>
        tpu.wait_dma2 semaphore(%run_scoped3A : memref<!tpu.dma_semaphore, #tpu.memory_space<semaphore_mem>>) src(%dma_wait3A_29 : memref<128x128xf32, #tpu.memory_space<hbm>>) dst(%arg7 : memref<128x128xf32, #tpu.memory_space<vmem>>)
        tpu.yield
      }) : () -> ()
      "tpu.region"() ({
        %run_scoped3A = tpu.sem_alloc : memref<!tpu.dma_semaphore, #tpu.memory_space<semaphore_mem>>
        %dma_start3A = arith.constant 0 : i32
        %dma_start3A_24 = arith.constant 0 : i32
        %dma_start3A_25 = tpu.memref_slice %arg8[%dma_start3A, %dma_start3A_24] : memref<10240x128xf32, #tpu.memory_space<vmem_shared>> -> memref<10240x128xf32, #tpu.memory_space<vmem_shared>>
        tpu.enqueue_indirect_dma source(%arg7 : memref<128x128xf32, #tpu.memory_space<vmem>>) target(%dma_start3A_25 : memref<10240x128xf32, #tpu.memory_space<vmem_shared>>) offsets(%arg6 : memref<128xi32, #tpu.memory_space<vmem>>) semaphore(%run_scoped3A : memref<!tpu.dma_semaphore, #tpu.memory_space<semaphore_mem>>) {add = true}
        %dma_wait3A = arith.constant 0 : i32
        %dma_wait3A_26 = arith.constant 0 : i32
        %dma_wait3A_27 = tpu.memref_slice %arg8[%dma_wait3A, %dma_wait3A_26] : memref<10240x128xf32, #tpu.memory_space<vmem_shared>> -> memref<10240x128xf32, #tpu.memory_space<vmem_shared>>
        tpu.wait_indirect_dma semaphore(%run_scoped3A : memref<!tpu.dma_semaphore, #tpu.memory_space<semaphore_mem>>) src(%arg7 : memref<128x128xf32, #tpu.memory_space<vmem>>) dst(%dma_wait3A_27 : memref<10240x128xf32, #tpu.memory_space<vmem_shared>>)
        tpu.yield
      }) : () -> ()
    }
    %scan3A_11 = arith.constant 81 : i32
    %barrier3A_12 = arith.constant 0 : index
    tpu.barrier barrier_id(%barrier3A_12)
    %mul3A_13 = arith.constant 640 : i32
    %mul3A_14 = arith.muli %arg1, %mul3A_13 : i32
    %mul3A_15 = arith.constant 10240 : i32
    %mul3A_16 = arith.muli %arg0, %mul3A_15 : i32
    %mul3A_17 = arith.constant 640 : i32
    %mul3A_18 = arith.muli %arg1, %mul3A_17 : i32
    %add3A_19 = arith.addi %mul3A_16, %mul3A_18 : i32
    "tpu.region"() ({
      %run_scoped3A = tpu.sem_alloc : memref<!tpu.dma_semaphore, #tpu.memory_space<semaphore_mem>>
      %dma_start3A = arith.constant 0 : i32
      %dma_start3A_20 = tpu.memref_slice %arg5[%add3A_19, %dma_start3A] : memref<20480x128xf32, #tpu.memory_space<hbm>> -> memref<640x128xf32, #tpu.memory_space<hbm>>
      %dma_start3A_21 = arith.constant 0 : i32
      %dma_start3A_22 = tpu.memref_slice %arg8[%mul3A_14, %dma_start3A_21] : memref<10240x128xf32, #tpu.memory_space<vmem_shared>> -> memref<640x128xf32, #tpu.memory_space<vmem_shared>>
      tpu.enqueue_dma source(%dma_start3A_22 : memref<640x128xf32, #tpu.memory_space<vmem_shared>>) target(%dma_start3A_20 : memref<640x128xf32, #tpu.memory_space<hbm>>) target_semaphore(%run_scoped3A : memref<!tpu.dma_semaphore, #tpu.memory_space<semaphore_mem>>)
      %dma_wait3A = arith.constant 0 : i32
      %dma_wait3A_23 = tpu.memref_slice %arg5[%add3A_19, %dma_wait3A] : memref<20480x128xf32, #tpu.memory_space<hbm>> -> memref<640x128xf32, #tpu.memory_space<hbm>>
      %dma_wait3A_24 = arith.constant 0 : i32
      %dma_wait3A_25 = tpu.memref_slice %arg8[%mul3A_14, %dma_wait3A_24] : memref<10240x128xf32, #tpu.memory_space<vmem_shared>> -> memref<640x128xf32, #tpu.memory_space<vmem_shared>>
      tpu.wait_dma2 semaphore(%run_scoped3A : memref<!tpu.dma_semaphore, #tpu.memory_space<semaphore_mem>>) src(%dma_wait3A_25 : memref<640x128xf32, #tpu.memory_space<vmem_shared>>) dst(%dma_wait3A_23 : memref<640x128xf32, #tpu.memory_space<hbm>>)
      tpu.yield
    }) : () -> ()
    return
  }
}

module attributes {stable_mosaic.version = 14 : i64} {
  func.func @body(%arg0: i32, %arg1: memref<1024x128xf32, #tpu.memory_space<vmem>>, %arg2: memref<128x128xf32, #tpu.memory_space<vmem>>, %arg3: memref<1x128xf32, #tpu.memory_space<vmem>>, %arg4: memref<128x128xf32, #tpu.memory_space<vmem>>, %arg5: memref<1x128xf32, #tpu.memory_space<vmem>>, %arg6: memref<1024x128xf32, #tpu.memory_space<vmem>>, %arg7: memref<1024x128xf32, #tpu.memory_space<vmem>>, %arg8: memref<1024x128xf32, #tpu.memory_space<vmem>>, %arg9: memref<1024x128xf32, #tpu.memory_space<vmem>>, %arg10: memref<1024x16xf32, #tpu.memory_space<vmem>>) attributes {dimension_semantics = [#tpu.dimension_semantics<arbitrary>], iteration_bounds = array<i64: 10>, scalar_prefetch = 0 : i64, scratch_operands = 0 : i64, tpu.core_type = #tpu.core_type<tc>, window_params = [{transform_indices = @transform_0, window_bounds = array<i64: 1024, 128>}, {pipeline_mode = #tpu.pipeline_mode<synchronous>, transform_indices = @transform_1, window_bounds = array<i64: 128, 128>}, {pipeline_mode = #tpu.pipeline_mode<synchronous>, transform_indices = @transform_2, window_bounds = array<i64: 1, 128>}, {pipeline_mode = #tpu.pipeline_mode<synchronous>, transform_indices = @transform_3, window_bounds = array<i64: 128, 128>}, {pipeline_mode = #tpu.pipeline_mode<synchronous>, transform_indices = @transform_4, window_bounds = array<i64: 1, 128>}, {transform_indices = @transform_5, window_bounds = array<i64: 1024, 128>}, {transform_indices = @transform_6, window_bounds = array<i64: 1024, 128>}, {transform_indices = @transform_7, window_bounds = array<i64: 1024, 128>}, {transform_indices = @transform_8, window_bounds = array<i64: 1024, 128>}, {transform_indices = @transform_9, window_bounds = array<i64: 1024, 16>}]} {
    %get3A = arith.constant 0 : index
    %get3A_0 = arith.constant 0 : index
    %get3A_1 = vector.load %arg1[%get3A, %get3A_0] : memref<1024x128xf32, #tpu.memory_space<vmem>>, vector<1024x128xf32>
    %get3A_2 = arith.constant 0 : index
    %get3A_3 = arith.constant 0 : index
    %get3A_4 = vector.load %arg2[%get3A_2, %get3A_3] : memref<128x128xf32, #tpu.memory_space<vmem>>, vector<128x128xf32>
    %dot_general3A = arith.constant dense<0.000000e+00> : vector<1024x128xf32>
    %dot_general3A_5 = tpu.matmul %get3A_1, %get3A_4, %dot_general3A {dimension_numbers = #tpu.dot_dimension_numbers<[1], [0], [0], [1], [0, 0, 1, 1], [], []>, transpose_lhs_hint = false} : vector<1024x128xf32>, vector<128x128xf32>, vector<1024x128xf32> -> vector<1024x128xf32>
    %get3A_6 = arith.constant 0 : index
    %get3A_7 = arith.constant 0 : index
    %get3A_8 = vector.load %arg3[%get3A_6, %get3A_7] : memref<1x128xf32, #tpu.memory_space<vmem>>, vector<1x128xf32>
    %add3A = vector.broadcast %get3A_8 : vector<1x128xf32> to vector<1024x128xf32>
    %add3A_9 = arith.addf %dot_general3A_5, %add3A : vector<1024x128xf32>
    %swap3A = arith.constant 0 : index
    %swap3A_10 = arith.constant 0 : index
    %swap3A_11 = vector.load %arg8[%swap3A, %swap3A_10] : memref<1024x128xf32, #tpu.memory_space<vmem>>, vector<1024x128xf32>
    tpu.vector_store %arg8[%swap3A, %swap3A_10], %add3A_9 {strides = array<i32>} : memref<1024x128xf32, #tpu.memory_space<vmem>>, vector<1024x128xf32>,
    %get3A_12 = arith.constant 0 : index
    %get3A_13 = arith.constant 0 : index
    %get3A_14 = vector.load %arg4[%get3A_12, %get3A_13] : memref<128x128xf32, #tpu.memory_space<vmem>>, vector<128x128xf32>
    %dot_general3A_15 = arith.constant dense<0.000000e+00> : vector<1024x128xf32>
    %dot_general3A_16 = tpu.matmul %get3A_1, %get3A_14, %dot_general3A_15 {dimension_numbers = #tpu.dot_dimension_numbers<[1], [0], [0], [1], [0, 0, 1, 1], [], []>, transpose_lhs_hint = false} : vector<1024x128xf32>, vector<128x128xf32>, vector<1024x128xf32> -> vector<1024x128xf32>
    %get3A_17 = arith.constant 0 : index
    %get3A_18 = arith.constant 0 : index
    %get3A_19 = vector.load %arg5[%get3A_17, %get3A_18] : memref<1x128xf32, #tpu.memory_space<vmem>>, vector<1x128xf32>
    %add3A_20 = vector.broadcast %get3A_19 : vector<1x128xf32> to vector<1024x128xf32>
    %add3A_21 = arith.addf %dot_general3A_16, %add3A_20 : vector<1024x128xf32>
    %swap3A_22 = arith.constant 0 : index
    %swap3A_23 = arith.constant 0 : index
    %swap3A_24 = vector.load %arg9[%swap3A_22, %swap3A_23] : memref<1024x128xf32, #tpu.memory_space<vmem>>, vector<1024x128xf32>
    tpu.vector_store %arg9[%swap3A_22, %swap3A_23], %add3A_21 {strides = array<i32>} : memref<1024x128xf32, #tpu.memory_space<vmem>>, vector<1024x128xf32>,
    %get3A_25 = arith.constant 0 : index
    %get3A_26 = arith.constant 0 : index
    %get3A_27 = vector.load %arg6[%get3A_25, %get3A_26] : memref<1024x128xf32, #tpu.memory_space<vmem>>, vector<1024x128xf32>
    %get3A_28 = arith.constant 0 : index
    %get3A_29 = arith.constant 0 : index
    %get3A_30 = vector.load %arg7[%get3A_28, %get3A_29] : memref<1024x128xf32, #tpu.memory_space<vmem>>, vector<1024x128xf32>
    %add3A_31 = arith.addf %get3A_27, %get3A_30 : vector<1024x128xf32>
    %slice3A = vector.extract_strided_slice %add3A_31 {offsets = [0, 0], sizes = [1024, 16], strides = [1, 1]} : vector<1024x128xf32> to vector<1024x16xf32>
    %slice3A_32 = vector.extract_strided_slice %add3A_31 {offsets = [0, 16], sizes = [1024, 1], strides = [1, 1]} : vector<1024x128xf32> to vector<1024x1xf32>
    %max3A = arith.constant 1.000000e+00 : f32
    %max3A_33 = vector.broadcast %max3A : f32 to vector<1024x1xf32>
    %max3A_34 = arith.maximumf %slice3A_32, %max3A_33 : vector<1024x1xf32>
    %div3A = vector.broadcast %max3A_34 : vector<1024x1xf32> to vector<1024x16xf32>
    %div3A_35 = arith.divf %slice3A, %div3A : vector<1024x16xf32>
    %swap3A_36 = arith.constant 0 : index
    %swap3A_37 = arith.constant 0 : index
    %swap3A_38 = vector.load %arg10[%swap3A_36, %swap3A_37] : memref<1024x16xf32, #tpu.memory_space<vmem>>, vector<1024x16xf32>
    tpu.vector_store %arg10[%swap3A_36, %swap3A_37], %div3A_35 {strides = array<i32>} : memref<1024x16xf32, #tpu.memory_space<vmem>>, vector<1024x16xf32>,
    return
  }
  func.func @transform_0(%arg0: i32) -> (i32, i32) {
    %c0_i32 = arith.constant 0 : i32
    %c0_i32_0 = arith.constant 0 : i32
    return %arg0, %c0_i32 : i32, i32
  }
  func.func @transform_1(%arg0: i32) -> (i32, i32) {
    %c0_i32 = arith.constant 0 : i32
    %c0_i32_0 = arith.constant 0 : i32
    %c0_i32_1 = arith.constant 0 : i32
    return %c0_i32, %c0_i32_0 : i32, i32
  }
  func.func @transform_2(%arg0: i32) -> (i32, i32) {
    %c0_i32 = arith.constant 0 : i32
    %c0_i32_0 = arith.constant 0 : i32
    %c0_i32_1 = arith.constant 0 : i32
    return %c0_i32, %c0_i32_0 : i32, i32
  }
  func.func @transform_3(%arg0: i32) -> (i32, i32) {
    %c0_i32 = arith.constant 0 : i32
    %c0_i32_0 = arith.constant 0 : i32
    %c0_i32_1 = arith.constant 0 : i32
    return %c0_i32, %c0_i32_0 : i32, i32
  }
  func.func @transform_4(%arg0: i32) -> (i32, i32) {
    %c0_i32 = arith.constant 0 : i32
    %c0_i32_0 = arith.constant 0 : i32
    %c0_i32_1 = arith.constant 0 : i32
    return %c0_i32, %c0_i32_0 : i32, i32
  }
  func.func @transform_5(%arg0: i32) -> (i32, i32) {
    %c0_i32 = arith.constant 0 : i32
    %c0_i32_0 = arith.constant 0 : i32
    return %arg0, %c0_i32 : i32, i32
  }
  func.func @transform_6(%arg0: i32) -> (i32, i32) {
    %add3A = arith.constant 10 : i32
    %add3A_0 = arith.addi %arg0, %add3A : i32
    %c0_i32 = arith.constant 0 : i32
    %c0_i32_1 = arith.constant 0 : i32
    return %add3A_0, %c0_i32 : i32, i32
  }
  func.func @transform_7(%arg0: i32) -> (i32, i32) {
    %c0_i32 = arith.constant 0 : i32
    %c0_i32_0 = arith.constant 0 : i32
    return %arg0, %c0_i32 : i32, i32
  }
  func.func @transform_8(%arg0: i32) -> (i32, i32) {
    %c0_i32 = arith.constant 0 : i32
    %c0_i32_0 = arith.constant 0 : i32
    return %arg0, %c0_i32 : i32, i32
  }
  func.func @transform_9(%arg0: i32) -> (i32, i32) {
    %c0_i32 = arith.constant 0 : i32
    %c0_i32_0 = arith.constant 0 : i32
    return %arg0, %c0_i32 : i32, i32
  }
}

module attributes {stable_mosaic.version = 14 : i64} {
  func.func @body(%arg0: i32, %arg1: memref<512x128xf32, #tpu.memory_space<vmem>>, %arg2: memref<512x128xf32, #tpu.memory_space<vmem>>, %arg3: memref<512x16xf32, #tpu.memory_space<vmem>>, %arg4: memref<16x128xf32, #tpu.memory_space<vmem>>, %arg5: memref<1x128xf32, #tpu.memory_space<vmem>>, %arg6: memref<128x16xf32, #tpu.memory_space<vmem>>, %arg7: memref<512x16xf32, #tpu.memory_space<vmem>>, %arg8: memref<1x1x16xf32, #tpu.memory_space<vmem>>) attributes {dimension_semantics = [#tpu.dimension_semantics<arbitrary>], iteration_bounds = array<i64: 648>, scalar_prefetch = 0 : i64, scratch_operands = 0 : i64, tpu.core_type = #tpu.core_type<tc>, window_params = [{transform_indices = @transform_0, window_bounds = array<i64: 512, 128>}, {transform_indices = @transform_1, window_bounds = array<i64: 512, 128>}, {transform_indices = @transform_2, window_bounds = array<i64: 512, 16>}, {pipeline_mode = #tpu.pipeline_mode<synchronous>, transform_indices = @transform_3, window_bounds = array<i64: 16, 128>}, {pipeline_mode = #tpu.pipeline_mode<synchronous>, transform_indices = @transform_4, window_bounds = array<i64: 1, 128>}, {pipeline_mode = #tpu.pipeline_mode<synchronous>, transform_indices = @transform_5, window_bounds = array<i64: 128, 16>}, {transform_indices = @transform_6, window_bounds = array<i64: 512, 16>}, {transform_indices = @transform_7, window_bounds = array<i64: 1, 1, 16>}]} {
    %get3A = arith.constant 0 : index
    %get3A_0 = arith.constant 0 : index
    %get3A_1 = vector.load %arg1[%get3A, %get3A_0] : memref<512x128xf32, #tpu.memory_space<vmem>>, vector<512x128xf32>
    %get3A_2 = arith.constant 0 : index
    %get3A_3 = arith.constant 0 : index
    %get3A_4 = vector.load %arg2[%get3A_2, %get3A_3] : memref<512x128xf32, #tpu.memory_space<vmem>>, vector<512x128xf32>
    %add3A = arith.addf %get3A_1, %get3A_4 : vector<512x128xf32>
    %get3A_5 = arith.constant 0 : index
    %get3A_6 = arith.constant 0 : index
    %get3A_7 = vector.load %arg3[%get3A_5, %get3A_6] : memref<512x16xf32, #tpu.memory_space<vmem>>, vector<512x16xf32>
    %get3A_8 = arith.constant 0 : index
    %get3A_9 = arith.constant 0 : index
    %get3A_10 = vector.load %arg4[%get3A_8, %get3A_9] : memref<16x128xf32, #tpu.memory_space<vmem>>, vector<16x128xf32>
    %dot_general3A = arith.constant dense<0.000000e+00> : vector<512x128xf32>
    %dot_general3A_11 = tpu.matmul %get3A_7, %get3A_10, %dot_general3A {dimension_numbers = #tpu.dot_dimension_numbers<[1], [0], [0], [1], [0, 0, 1, 1], [], []>, transpose_lhs_hint = false} : vector<512x16xf32>, vector<16x128xf32>, vector<512x128xf32> -> vector<512x128xf32>
    %add3A_12 = arith.addf %add3A, %dot_general3A_11 : vector<512x128xf32>
    %ge3A = arith.constant 0.000000e+00 : f32
    %ge3A_13 = vector.broadcast %ge3A : f32 to vector<512x128xf32>
    %ge3A_14 = arith.cmpf oge, %add3A_12, %ge3A_13 : vector<512x128xf32>
    %mul3A = arith.constant 2.000000e-01 : f32
    %mul3A_15 = vector.broadcast %mul3A : f32 to vector<512x128xf32>
    %mul3A_16 = arith.mulf %mul3A_15, %add3A_12 : vector<512x128xf32>
    %select_n3A = arith.select %ge3A_14, %add3A_12, %mul3A_16 : vector<512x128xi1>, vector<512x128xf32>
    %get3A_17 = arith.constant 0 : index
    %get3A_18 = arith.constant 0 : index
    %get3A_19 = vector.load %arg5[%get3A_17, %get3A_18] : memref<1x128xf32, #tpu.memory_space<vmem>>, vector<1x128xf32>
    %mul3A_20 = vector.broadcast %get3A_19 : vector<1x128xf32> to vector<512x128xf32>
    %mul3A_21 = arith.mulf %select_n3A, %mul3A_20 : vector<512x128xf32>
    %get3A_22 = arith.constant 0 : index
    %get3A_23 = arith.constant 0 : index
    %get3A_24 = vector.load %arg6[%get3A_22, %get3A_23] : memref<128x16xf32, #tpu.memory_space<vmem>>, vector<128x16xf32>
    %dot_general3A_25 = arith.constant dense<0.000000e+00> : vector<512x16xf32>
    %dot_general3A_26 = tpu.matmul %mul3A_21, %get3A_24, %dot_general3A_25 {dimension_numbers = #tpu.dot_dimension_numbers<[1], [0], [0], [1], [0, 0, 1, 1], [], []>, transpose_lhs_hint = false} : vector<512x128xf32>, vector<128x16xf32>, vector<512x16xf32> -> vector<512x16xf32>
    %mul3A_27 = arith.constant 512 : i32
    %mul3A_28 = arith.muli %arg0, %mul3A_27 : i32
    %iota3A = tpu.iota {dimensions = array<i32: 0>} : vector<512x16xi32>
    %add3A_29 = vector.broadcast %mul3A_28 : i32 to vector<512x16xi32>
    %add3A_30 = arith.addi %add3A_29, %iota3A : vector<512x16xi32>
    %lt3A = arith.constant 330000 : i32
    %lt3A_31 = vector.broadcast %lt3A : i32 to vector<512x16xi32>
    %lt3A_32 = arith.cmpi slt, %add3A_30, %lt3A_31 : vector<512x16xi32>
    %jit3A = arith.constant -1.000000e+30 : f32
    %broadcast_in_dim3A = vector.broadcast %jit3A : f32 to vector<512x16xf32>
    %select_n3A_33 = arith.select %lt3A_32, %dot_general3A_26, %broadcast_in_dim3A : vector<512x16xi1>, vector<512x16xf32>
    %swap3A = arith.constant 0 : index
    %swap3A_34 = arith.constant 0 : index
    %swap3A_35 = vector.load %arg7[%swap3A, %swap3A_34] : memref<512x16xf32, #tpu.memory_space<vmem>>, vector<512x16xf32>
    tpu.vector_store %arg7[%swap3A, %swap3A_34], %select_n3A_33 {strides = array<i32>} : memref<512x16xf32, #tpu.memory_space<vmem>>, vector<512x16xf32>,
    %reduce_max3A = arith.constant dense<0xFF800000> : vector<16xf32>
    %reduce_max3A_36 = vector.multi_reduction <maximumf>, %select_n3A_33, %reduce_max3A [0] : vector<512x16xf32> to vector<16xf32>
    %broadcast_in_dim3A_37 = vector.shape_cast %reduce_max3A_36 : vector<16xf32> to vector<1x16xf32>
    %broadcast_in_dim3A_38 = vector.shape_cast %broadcast_in_dim3A_37 : vector<1x16xf32> to vector<1x1x16xf32>
    %swap3A_39 = arith.constant 0 : index
    %swap3A_40 = arith.constant 0 : index
    %swap3A_41 = arith.constant 0 : index
    %swap3A_42 = vector.load %arg8[%swap3A_39, %swap3A_40, %swap3A_41] : memref<1x1x16xf32, #tpu.memory_space<vmem>>, vector<1x1x16xf32>
    tpu.vector_store %arg8[%swap3A_39, %swap3A_40, %swap3A_41], %broadcast_in_dim3A_38 {strides = array<i32>} : memref<1x1x16xf32, #tpu.memory_space<vmem>>, vector<1x1x16xf32>,
    return
  }
  func.func @transform_0(%arg0: i32) -> (i32, i32) {
    %c0_i32 = arith.constant 0 : i32
    %c0_i32_0 = arith.constant 0 : i32
    return %arg0, %c0_i32 : i32, i32
  }
  func.func @transform_1(%arg0: i32) -> (i32, i32) {
    %c0_i32 = arith.constant 0 : i32
    %c0_i32_0 = arith.constant 0 : i32
    return %arg0, %c0_i32 : i32, i32
  }
  func.func @transform_2(%arg0: i32) -> (i32, i32) {
    %c0_i32 = arith.constant 0 : i32
    %c0_i32_0 = arith.constant 0 : i32
    return %arg0, %c0_i32 : i32, i32
  }
  func.func @transform_3(%arg0: i32) -> (i32, i32) {
    %c0_i32 = arith.constant 0 : i32
    %c0_i32_0 = arith.constant 0 : i32
    %c0_i32_1 = arith.constant 0 : i32
    return %c0_i32, %c0_i32_0 : i32, i32
  }
  func.func @transform_4(%arg0: i32) -> (i32, i32) {
    %c0_i32 = arith.constant 0 : i32
    %c0_i32_0 = arith.constant 0 : i32
    %c0_i32_1 = arith.constant 0 : i32
    return %c0_i32, %c0_i32_0 : i32, i32
  }
  func.func @transform_5(%arg0: i32) -> (i32, i32) {
    %c0_i32 = arith.constant 0 : i32
    %c0_i32_0 = arith.constant 0 : i32
    %c0_i32_1 = arith.constant 0 : i32
    return %c0_i32, %c0_i32_0 : i32, i32
  }
  func.func @transform_6(%arg0: i32) -> (i32, i32) {
    %c0_i32 = arith.constant 0 : i32
    %c0_i32_0 = arith.constant 0 : i32
    return %arg0, %c0_i32 : i32, i32
  }
  func.func @transform_7(%arg0: i32) -> (i32, i32, i32) {
    %c0_i32 = arith.constant 0 : i32
    %c0_i32_0 = arith.constant 0 : i32
    %c0_i32_1 = arith.constant 0 : i32
    return %arg0, %c0_i32, %c0_i32_0 : i32, i32, i32
  }
}

module attributes {stable_mosaic.version = 14 : i64} {
  func.func @body(%arg0: i32, %arg1: memref<512x16xf32, #tpu.memory_space<vmem>>, %arg2: memref<648x1x16xf32, #tpu.memory_space<vmem>>, %arg3: memref<512x128xf32, #tpu.memory_space<vmem>>) attributes {dimension_semantics = [#tpu.dimension_semantics<arbitrary>], iteration_bounds = array<i64: 648>, scalar_prefetch = 0 : i64, scratch_operands = 0 : i64, tpu.core_type = #tpu.core_type<tc>, window_params = [{transform_indices = @transform_0, window_bounds = array<i64: 512, 16>}, {pipeline_mode = #tpu.pipeline_mode<synchronous>, transform_indices = @transform_1, window_bounds = array<i64: 648, 1, 16>}, {transform_indices = @transform_2, window_bounds = array<i64: 512, 128>}]} {
    %get3A = arith.constant 0 : index
    %get3A_0 = arith.constant 0 : index
    %get3A_1 = arith.constant 0 : index
    %get3A_2 = vector.load %arg2[%get3A, %get3A_0, %get3A_1] : memref<648x1x16xf32, #tpu.memory_space<vmem>>, vector<648x1x16xf32>
    %reduce_max3A = arith.constant dense<0xFF800000> : vector<16xf32>
    %reduce_max3A_3 = vector.multi_reduction <maximumf>, %get3A_2, %reduce_max3A [0, 1] : vector<648x1x16xf32> to vector<16xf32>
    %broadcast_in_dim3A = vector.shape_cast %reduce_max3A_3 : vector<16xf32> to vector<1x16xf32>
    %get3A_4 = arith.constant 0 : index
    %get3A_5 = arith.constant 0 : index
    %get3A_6 = vector.load %arg1[%get3A_4, %get3A_5] : memref<512x16xf32, #tpu.memory_space<vmem>>, vector<512x16xf32>
    %sub3A = vector.broadcast %broadcast_in_dim3A : vector<1x16xf32> to vector<512x16xf32>
    %sub3A_7 = arith.subf %get3A_6, %sub3A : vector<512x16xf32>
    %exp3A = math.exp %sub3A_7 : vector<512x16xf32>
    %broadcast_in_dim3A_8 = arith.constant 0.000000e+00 : f32
    %broadcast_in_dim3A_9 = vector.broadcast %broadcast_in_dim3A_8 : f32 to vector<512x112xf32>
    %concatenate3A = tpu.concatenate %exp3A, %broadcast_in_dim3A_9 in 1 : vector<512x16xf32>, vector<512x112xf32> -> vector<512x128xf32>
    %swap3A = arith.constant 0 : index
    %swap3A_10 = arith.constant 0 : index
    %swap3A_11 = vector.load %arg3[%swap3A, %swap3A_10] : memref<512x128xf32, #tpu.memory_space<vmem>>, vector<512x128xf32>
    tpu.vector_store %arg3[%swap3A, %swap3A_10], %concatenate3A {strides = array<i32>} : memref<512x128xf32, #tpu.memory_space<vmem>>, vector<512x128xf32>,
    return
  }
  func.func @transform_0(%arg0: i32) -> (i32, i32) {
    %c0_i32 = arith.constant 0 : i32
    %c0_i32_0 = arith.constant 0 : i32
    return %arg0, %c0_i32 : i32, i32
  }
  func.func @transform_1(%arg0: i32) -> (i32, i32, i32) {
    %c0_i32 = arith.constant 0 : i32
    %c0_i32_0 = arith.constant 0 : i32
    %c0_i32_1 = arith.constant 0 : i32
    %c0_i32_2 = arith.constant 0 : i32
    return %c0_i32, %c0_i32_0, %c0_i32_1 : i32, i32, i32
  }
  func.func @transform_2(%arg0: i32) -> (i32, i32) {
    %c0_i32 = arith.constant 0 : i32
    %c0_i32_0 = arith.constant 0 : i32
    return %arg0, %c0_i32 : i32, i32
  }
}

module attributes {stable_mosaic.version = 14 : i64} {
  func.func @body(%arg0: i32, %arg1: memref<512x128xf32, #tpu.memory_space<vmem>>, %arg2: memref<512x128xf32, #tpu.memory_space<vmem>>, %arg3: memref<512x128xf32, #tpu.memory_space<vmem>>, %arg4: memref<16x128xf32, #tpu.memory_space<vmem>>, %arg5: memref<512x16xf32, #tpu.memory_space<vmem>>, %arg6: memref<512x128xf32, #tpu.memory_space<vmem>>) attributes {dimension_semantics = [#tpu.dimension_semantics<arbitrary>], iteration_bounds = array<i64: 648>, scalar_prefetch = 0 : i64, scratch_operands = 0 : i64, tpu.core_type = #tpu.core_type<tc>, window_params = [{transform_indices = @transform_0, window_bounds = array<i64: 512, 128>}, {transform_indices = @transform_1, window_bounds = array<i64: 512, 128>}, {transform_indices = @transform_2, window_bounds = array<i64: 512, 128>}, {pipeline_mode = #tpu.pipeline_mode<synchronous>, transform_indices = @transform_3, window_bounds = array<i64: 16, 128>}, {transform_indices = @transform_4, window_bounds = array<i64: 512, 16>}, {transform_indices = @transform_5, window_bounds = array<i64: 512, 128>}]} {
    %get3A = arith.constant 0 : index
    %get3A_0 = arith.constant 0 : index
    %get3A_1 = vector.load %arg1[%get3A, %get3A_0] : memref<512x128xf32, #tpu.memory_space<vmem>>, vector<512x128xf32>
    %slice3A = vector.extract_strided_slice %get3A_1 {offsets = [0, 0], sizes = [512, 16], strides = [1, 1]} : vector<512x128xf32> to vector<512x16xf32>
    %get3A_2 = arith.constant 0 : index
    %get3A_3 = arith.constant 0 : index
    %get3A_4 = vector.load %arg2[%get3A_2, %get3A_3] : memref<512x128xf32, #tpu.memory_space<vmem>>, vector<512x128xf32>
    %slice3A_5 = vector.extract_strided_slice %get3A_4 {offsets = [0, 0], sizes = [512, 16], strides = [1, 1]} : vector<512x128xf32> to vector<512x16xf32>
    %add3A = arith.constant 1.000000e-16 : f32
    %add3A_6 = vector.broadcast %add3A : f32 to vector<512x16xf32>
    %add3A_7 = arith.addf %slice3A_5, %add3A_6 : vector<512x16xf32>
    %div3A = arith.divf %slice3A, %add3A_7 : vector<512x16xf32>
    %swap3A = arith.constant 0 : index
    %swap3A_8 = arith.constant 0 : index
    %swap3A_9 = vector.load %arg5[%swap3A, %swap3A_8] : memref<512x16xf32, #tpu.memory_space<vmem>>, vector<512x16xf32>
    tpu.vector_store %arg5[%swap3A, %swap3A_8], %div3A {strides = array<i32>} : memref<512x16xf32, #tpu.memory_space<vmem>>, vector<512x16xf32>,
    %get3A_10 = arith.constant 0 : index
    %get3A_11 = arith.constant 0 : index
    %get3A_12 = vector.load %arg4[%get3A_10, %get3A_11] : memref<16x128xf32, #tpu.memory_space<vmem>>, vector<16x128xf32>
    %dot_general3A = arith.constant dense<0.000000e+00> : vector<512x128xf32>
    %dot_general3A_13 = tpu.matmul %div3A, %get3A_12, %dot_general3A {dimension_numbers = #tpu.dot_dimension_numbers<[1], [0], [0], [1], [0, 0, 1, 1], [], []>, transpose_lhs_hint = false} : vector<512x16xf32>, vector<16x128xf32>, vector<512x128xf32> -> vector<512x128xf32>
    %get3A_14 = arith.constant 0 : index
    %get3A_15 = arith.constant 0 : index
    %get3A_16 = vector.load %arg3[%get3A_14, %get3A_15] : memref<512x128xf32, #tpu.memory_space<vmem>>, vector<512x128xf32>
    %mul3A = arith.mulf %get3A_16, %dot_general3A_13 : vector<512x128xf32>
    %swap3A_17 = arith.constant 0 : index
    %swap3A_18 = arith.constant 0 : index
    %swap3A_19 = vector.load %arg6[%swap3A_17, %swap3A_18] : memref<512x128xf32, #tpu.memory_space<vmem>>, vector<512x128xf32>
    tpu.vector_store %arg6[%swap3A_17, %swap3A_18], %mul3A {strides = array<i32>} : memref<512x128xf32, #tpu.memory_space<vmem>>, vector<512x128xf32>,
    return
  }
  func.func @transform_0(%arg0: i32) -> (i32, i32) {
    %c0_i32 = arith.constant 0 : i32
    %c0_i32_0 = arith.constant 0 : i32
    return %arg0, %c0_i32 : i32, i32
  }
  func.func @transform_1(%arg0: i32) -> (i32, i32) {
    %c0_i32 = arith.constant 0 : i32
    %c0_i32_0 = arith.constant 0 : i32
    return %arg0, %c0_i32 : i32, i32
  }
  func.func @transform_2(%arg0: i32) -> (i32, i32) {
    %c0_i32 = arith.constant 0 : i32
    %c0_i32_0 = arith.constant 0 : i32
    return %arg0, %c0_i32 : i32, i32
  }
  func.func @transform_3(%arg0: i32) -> (i32, i32) {
    %c0_i32 = arith.constant 0 : i32
    %c0_i32_0 = arith.constant 0 : i32
    %c0_i32_1 = arith.constant 0 : i32
    return %c0_i32, %c0_i32_0 : i32, i32
  }
  func.func @transform_4(%arg0: i32) -> (i32, i32) {
    %c0_i32 = arith.constant 0 : i32
    %c0_i32_0 = arith.constant 0 : i32
    return %arg0, %c0_i32 : i32, i32
  }
  func.func @transform_5(%arg0: i32) -> (i32, i32) {
    %c0_i32 = arith.constant 0 : i32
    %c0_i32_0 = arith.constant 0 : i32
    return %arg0, %c0_i32 : i32, i32
  }
}

module attributes {stable_mosaic.version = 14 : i64} {
  func.func @body(%arg0: i32, %arg1: memref<1024x128xf32, #tpu.memory_space<vmem>>, %arg2: memref<1024x128xf32, #tpu.memory_space<vmem>>, %arg3: memref<1x128xf32, #tpu.memory_space<vmem>>, %arg4: memref<1x128xf32, #tpu.memory_space<vmem>>, %arg5: memref<1x128xf32, #tpu.memory_space<vmem>>, %arg6: memref<1024x128xf32, #tpu.memory_space<vmem>>) attributes {dimension_semantics = [#tpu.dimension_semantics<arbitrary>], iteration_bounds = array<i64: 10>, scalar_prefetch = 0 : i64, scratch_operands = 0 : i64, tpu.core_type = #tpu.core_type<tc>, window_params = [{transform_indices = @transform_0, window_bounds = array<i64: 1024, 128>}, {transform_indices = @transform_1, window_bounds = array<i64: 1024, 128>}, {pipeline_mode = #tpu.pipeline_mode<synchronous>, transform_indices = @transform_2, window_bounds = array<i64: 1, 128>}, {pipeline_mode = #tpu.pipeline_mode<synchronous>, transform_indices = @transform_3, window_bounds = array<i64: 1, 128>}, {pipeline_mode = #tpu.pipeline_mode<synchronous>, transform_indices = @transform_4, window_bounds = array<i64: 1, 128>}, {transform_indices = @transform_5, window_bounds = array<i64: 1024, 128>}]} {
    %get3A = arith.constant 0 : index
    %get3A_0 = arith.constant 0 : index
    %get3A_1 = vector.load %arg1[%get3A, %get3A_0] : memref<1024x128xf32, #tpu.memory_space<vmem>>, vector<1024x128xf32>
    %get3A_2 = arith.constant 0 : index
    %get3A_3 = arith.constant 0 : index
    %get3A_4 = vector.load %arg2[%get3A_2, %get3A_3] : memref<1024x128xf32, #tpu.memory_space<vmem>>, vector<1024x128xf32>
    %add3A = arith.addf %get3A_1, %get3A_4 : vector<1024x128xf32>
    %get3A_5 = arith.constant 0 : index
    %get3A_6 = arith.constant 0 : index
    %get3A_7 = vector.load %arg3[%get3A_5, %get3A_6] : memref<1x128xf32, #tpu.memory_space<vmem>>, vector<1x128xf32>
    %add3A_8 = vector.broadcast %get3A_7 : vector<1x128xf32> to vector<1024x128xf32>
    %add3A_9 = arith.addf %add3A, %add3A_8 : vector<1024x128xf32>
    %logistic3A = arith.negf %add3A_9 : vector<1024x128xf32>
    %logistic3A_10 = math.exp %logistic3A : vector<1024x128xf32>
    %logistic3A_11 = arith.constant 1.000000e+00 : f32
    %logistic3A_12 = vector.broadcast %logistic3A_11 : f32 to vector<1024x128xf32>
    %logistic3A_13 = arith.addf %logistic3A_12, %logistic3A_10 : vector<1024x128xf32>
    %logistic3A_14 = arith.divf %logistic3A_12, %logistic3A_13 : vector<1024x128xf32>
    %mul3A = arith.mulf %add3A_9, %logistic3A_14 : vector<1024x128xf32>
    %reduce_sum3A = arith.constant dense<0.000000e+00> : vector<1024xf32>
    %reduce_sum3A_15 = vector.multi_reduction <add>, %mul3A, %reduce_sum3A [1] : vector<1024x128xf32> to vector<1024xf32>
    %broadcast_in_dim3A = vector.shape_cast %reduce_sum3A_15 : vector<1024xf32> to vector<1024x1xf32>
    %div3A = arith.constant 1.280000e+02 : f32
    %div3A_16 = vector.broadcast %div3A : f32 to vector<1024x1xf32>
    %div3A_17 = arith.divf %broadcast_in_dim3A, %div3A_16 : vector<1024x1xf32>
    %sub3A = vector.broadcast %div3A_17 : vector<1024x1xf32> to vector<1024x128xf32>
    %sub3A_18 = arith.subf %mul3A, %sub3A : vector<1024x128xf32>
    %integer_pow3A = arith.mulf %sub3A_18, %sub3A_18 : vector<1024x128xf32>
    %reduce_sum3A_19 = arith.constant dense<0.000000e+00> : vector<1024xf32>
    %reduce_sum3A_20 = vector.multi_reduction <add>, %integer_pow3A, %reduce_sum3A_19 [1] : vector<1024x128xf32> to vector<1024xf32>
    %broadcast_in_dim3A_21 = vector.shape_cast %reduce_sum3A_20 : vector<1024xf32> to vector<1024x1xf32>
    %div3A_22 = arith.constant 1.280000e+02 : f32
    %div3A_23 = vector.broadcast %div3A_22 : f32 to vector<1024x1xf32>
    %div3A_24 = arith.divf %broadcast_in_dim3A_21, %div3A_23 : vector<1024x1xf32>
    %sub3A_25 = vector.broadcast %div3A_17 : vector<1024x1xf32> to vector<1024x128xf32>
    %sub3A_26 = arith.subf %mul3A, %sub3A_25 : vector<1024x128xf32>
    %add3A_27 = arith.constant 9.99999974E-6 : f32
    %add3A_28 = vector.broadcast %add3A_27 : f32 to vector<1024x1xf32>
    %add3A_29 = arith.addf %div3A_24, %add3A_28 : vector<1024x1xf32>
    %sqrt3A = math.sqrt %add3A_29 : vector<1024x1xf32>
    %div3A_30 = vector.broadcast %sqrt3A : vector<1024x1xf32> to vector<1024x128xf32>
    %div3A_31 = arith.divf %sub3A_26, %div3A_30 : vector<1024x128xf32>
    %get3A_32 = arith.constant 0 : index
    %get3A_33 = arith.constant 0 : index
    %get3A_34 = vector.load %arg4[%get3A_32, %get3A_33] : memref<1x128xf32, #tpu.memory_space<vmem>>, vector<1x128xf32>
    %mul3A_35 = vector.broadcast %get3A_34 : vector<1x128xf32> to vector<1024x128xf32>
    %mul3A_36 = arith.mulf %div3A_31, %mul3A_35 : vector<1024x128xf32>
    %get3A_37 = arith.constant 0 : index
    %get3A_38 = arith.constant 0 : index
    %get3A_39 = vector.load %arg5[%get3A_37, %get3A_38] : memref<1x128xf32, #tpu.memory_space<vmem>>, vector<1x128xf32>
    %add3A_40 = vector.broadcast %get3A_39 : vector<1x128xf32> to vector<1024x128xf32>
    %add3A_41 = arith.addf %mul3A_36, %add3A_40 : vector<1024x128xf32>
    %swap3A = arith.constant 0 : index
    %swap3A_42 = arith.constant 0 : index
    %swap3A_43 = vector.load %arg6[%swap3A, %swap3A_42] : memref<1024x128xf32, #tpu.memory_space<vmem>>, vector<1024x128xf32>
    tpu.vector_store %arg6[%swap3A, %swap3A_42], %add3A_41 {strides = array<i32>} : memref<1024x128xf32, #tpu.memory_space<vmem>>, vector<1024x128xf32>,
    return
  }
  func.func @transform_0(%arg0: i32) -> (i32, i32) {
    %c0_i32 = arith.constant 0 : i32
    %c0_i32_0 = arith.constant 0 : i32
    return %arg0, %c0_i32 : i32, i32
  }
  func.func @transform_1(%arg0: i32) -> (i32, i32) {
    %add3A = arith.constant 10 : i32
    %add3A_0 = arith.addi %arg0, %add3A : i32
    %c0_i32 = arith.constant 0 : i32
    %c0_i32_1 = arith.constant 0 : i32
    return %add3A_0, %c0_i32 : i32, i32
  }
  func.func @transform_2(%arg0: i32) -> (i32, i32) {
    %c0_i32 = arith.constant 0 : i32
    %c0_i32_0 = arith.constant 0 : i32
    %c0_i32_1 = arith.constant 0 : i32
    return %c0_i32, %c0_i32_0 : i32, i32
  }
  func.func @transform_3(%arg0: i32) -> (i32, i32) {
    %c0_i32 = arith.constant 0 : i32
    %c0_i32_0 = arith.constant 0 : i32
    %c0_i32_1 = arith.constant 0 : i32
    return %c0_i32, %c0_i32_0 : i32, i32
  }
  func.func @transform_4(%arg0: i32) -> (i32, i32) {
    %c0_i32 = arith.constant 0 : i32
    %c0_i32_0 = arith.constant 0 : i32
    %c0_i32_1 = arith.constant 0 : i32
    return %c0_i32, %c0_i32_0 : i32, i32
  }
  func.func @transform_5(%arg0: i32) -> (i32, i32) {
    %c0_i32 = arith.constant 0 : i32
    %c0_i32_0 = arith.constant 0 : i32
    return %arg0, %c0_i32 : i32, i32
  }
}

</mosaic_0001>

<sc_bundles>
// kernel: kernel.13.cloned.1.call-start
scs
__scs_entry_jumppad:
0x0: {  	(pc) =	sbr.rel $0x88, $3  }
0x1: {  	(tag) =	ssettag $0x0;
	lr =	simm.s32 $0x1  }
0x2: {  	[smem:$0x3F95] =	sst lr;
	_ =	strace $0xD0000000  }
0x3: {  	_ = 	snop  }
0x4: {  	_ = 	snop  }
0x5: {  	_ = 	snop  }
0x6: {  	_ = 	snop  }
0x7: {  	_ = 	snop  }
__scs_overlays_trampoline_lowered:
0x8: {  	[smem:$0x3FA4] =	sst s0  }
0x9: {  	[smem:$0x3FA5] =	sst s1  }
0xa: {  	[smem:$0x3FA6] =	sst s2  }
0xb: {  	[smem:$0x3FA7] =	sst s3  }
0xc: {  	[smem:$0x3FA8] =	sst s4  }
0xd: {  	[smem:$0x3FA9] =	sst s5  }
0xe: {  	[smem:$0x3FAA] =	sst s6  }
0xf: {  	[smem:$0x3FAB] =	sst s7  }
0x10: {  	[smem:$0x3FAC] =	sst s8  }
0x11: {  	[smem:$0x3FAD] =	sst s9;
	s0 =	simm.s32 @!p0 $0x0  }
0x12: {  	s1 =	sld [smem:$0x3F93];
	s0 =	simm.s32 @p0 $0x1  }
0x13: {  	[smem:$0x3FAE] =	sst s0;
	s0 =	simm.s32 @!p1 $0x0  }
0x14: {  	s2 =	sld [smem:$0x3F92];
	s0 =	simm.s32 @p1 $0x1  }
0x15: {  	[smem:$0x3FAF] =	sst s0;
	s0 =	simm.s32 @!p2 $0x0  }
0x16: {  	s3 =	sld [smem:$0x3FDB];
	s0 =	simm.s32 @p2 $0x1  }
0x17: {  	s4 =	simm.s32 $0x1BF5;
	[smem:$0x3FB1] =	sst s0  }
0x18: {  	s0 =	sld [smem:$0x3F94];
	_ =	swait.ge [sflag:s4], $0x0  }
0x19: {  	s7 =	sld [smem:$0x3F95]  }
0x1a: {  	s8 =	sadd.s32 $0xFFFFE003, lr  }
0x1b: {  	s9 =	sadd.s32 $0xFFFFFEF7, lr;
	s5 =	simm.s32 $0xFFFFFFFF;
	p2 =	slt.u32 s8, $0xFFFFF086  }
0x1c: {  	p1 =	slt.u32 s9, $0xF7A;
	s5 =	simm.s32 @!p2 $0x0  }
0x1d: {  	s5 =	simm.s32 @p1 $0x1;
	p0 =	seq.s32 s7, s2  }
0x1e: {  	s7 =	smul.u32 @!p0 $0xF7A, s2;
	p2 =	seq.s32 @!p0 s5, $0x0  }
0x1f: {  	s9 =	smul.u32 $0xF7A, s1;
	s8 =	simm.s32 @!p0 $0x1BF5;
	p2 =	por !p2, p0  }
0x20: {  	[sflag:s8] =	ssyncset.s32 @!p0 $0xFFFFF086;
	s6 =	sadd.s32 @!p0 s3, s7;
	s7 =	simm.s32 @!p0 $0x108  }
0x21: {  	s3 =	sadd.s32 s3, s9;
	s6 =	sadd.s32 @!p0 $0x88, s6;
	s7 =	simm.s32 @p2 $0x1082  }
0x22: {  	[simem:s7], [sflag:s8] =	dma.local @!p0 [hbm:s6], $0xF7A  }
0x23: {  	s9 =	sor.u32 $0xD0000000, s2;
	s6 =	simm.s32 $0x108;
	_ =	swait.ge @!p0 [sflag:s8], $0x0  }
0x24: {  	s3 =	sadd.s32 $0x88, s3;
	s6 =	simm.s32 @!p1 $0x1082;
	[sflag:s4] =	ssyncset.s32 $0xFFFFF086  }
0x25: {  	[simem:s6], [sflag:s4] =	dma.local [hbm:s3], $0xF7A  }
0x26: {  	[smem:$0x3F95] =	sst s1;
	(tag) =	ssettag s2;
	_ =	strace s9  }
0x27: {  	s1 =	sld [smem:$0x3FA5]  }
0x28: {  	s2 =	sld [smem:$0x3FA6]  }
0x29: {  	s4 =	sld [smem:$0x3FA8]  }
0x2a: {  	p0 =	seq.s32 s5, $0x0;
	s5 =	sld [smem:$0x3FA9]  }
0x2b: {  	s6 =	sld [smem:$0x3FAA]  }
0x2c: {  	s7 =	sld [smem:$0x3FAB]  }
0x2d: {  	s3 =	simm.s32 $0x108;
	s8 =	sld [smem:$0x3FAC]  }
0x2e: {  	s3 =	simm.s32 @!p0 $0x1082;
	s9 =	sld [smem:$0x3FAD]  }
0x2f: {  	lr =	sadd.s32 s0, s3;
	s0 =	sld [smem:$0x3FA4]  }
0x30: {  	s3 =	sld [smem:$0x3FA7]  }
0x31: {  	[smem:$0x3FB0] =	sst s10  }
0x32: {  	s10 =	sld [smem:$0x3FAE];
	_ =	sdelay $0x3  }
0x33: {  	p0 =	seq.s32 s10, $0x1;
	s10 =	sld [smem:$0x3FB0];
	_ =	sdelay $0x3  }
0x34: {  	[smem:$0x3FB0] =	sst s10  }
0x35: {  	s10 =	sld [smem:$0x3FAF];
	_ =	sdelay $0x3  }
0x36: {  	p1 =	seq.s32 s10, $0x1;
	s10 =	sld [smem:$0x3FB0];
	_ =	sdelay $0x3  }
0x37: {  	[smem:$0x3FB0] =	sst s10  }
0x38: {  	s10 =	sld [smem:$0x3FB1]  }
0x39: {  	_ = 	snop;
	(pc) =	sbr.ind lr, $3  }
0x3a: {  	_ = 	snop  }
0x3b: {  	_ = 	snop  }
0x3c: {  	p2 =	seq.s32 s10, $0x1;
	s10 =	sld [smem:$0x3FB0]  }
0x3d: {  	_ =	shalt  }
0x3e: {  	_ =	shalt  }
0x3f: {  	_ =	shalt  }
0x40: {  	_ =	shalt  }
0x41: {  	_ =	shalt  }
0x42: {  	_ =	shalt  }
0x43: {  	_ =	shalt  }
0x44: {  	_ =	shalt  }
0x45: {  	_ =	shalt  }
0x46: {  	_ =	shalt  }
0x47: {  	_ =	shalt  }
0x48: {  	_ =	shalt  }
0x49: {  	_ =	shalt  }
0x4a: {  	_ =	shalt  }
0x4b: {  	_ =	shalt  }
0x4c: {  	_ =	shalt  }
0x4d: {  	_ =	shalt  }
0x4e: {  	_ =	shalt  }
0x4f: {  	_ =	shalt  }
0x50: {  	_ =	shalt  }
0x51: {  	_ =	shalt  }
0x52: {  	_ =	shalt  }
0x53: {  	_ =	shalt  }
0x54: {  	_ =	shalt  }
0x55: {  	_ =	shalt  }
0x56: {  	_ =	shalt  }
0x57: {  	_ =	shalt  }
0x58: {  	_ =	shalt  }
0x59: {  	_ =	shalt  }
0x5a: {  	_ =	shalt  }
0x5b: {  	_ =	shalt  }
0x5c: {  	_ =	shalt  }
0x5d: {  	_ =	shalt  }
0x5e: {  	_ =	shalt  }
0x5f: {  	_ =	shalt  }
0x60: {  	_ =	shalt  }
0x61: {  	_ =	shalt  }
0x62: {  	_ =	shalt  }
0x63: {  	_ =	shalt  }
0x64: {  	_ =	shalt  }
0x65: {  	_ =	shalt  }
0x66: {  	_ =	shalt  }
0x67: {  	_ =	shalt  }
0x68: {  	_ =	shalt  }
0x69: {  	_ =	shalt  }
0x6a: {  	_ =	shalt  }
0x6b: {  	_ =	shalt  }
0x6c: {  	_ =	shalt  }
0x6d: {  	_ =	shalt  }
0x6e: {  	_ =	shalt  }
0x6f: {  	_ =	shalt  }
0x70: {  	_ =	shalt  }
0x71: {  	_ =	shalt  }
0x72: {  	_ =	shalt  }
0x73: {  	_ =	shalt  }
0x74: {  	_ =	shalt  }
0x75: {  	_ =	shalt  }
0x76: {  	_ =	shalt  }
0x77: {  	_ =	shalt  }
0x78: {  	_ =	shalt  }
0x79: {  	_ =	shalt  }
0x7a: {  	_ =	shalt  }
0x7b: {  	_ =	shalt  }
0x7c: {  	_ =	shalt  }
0x7d: {  	_ =	shalt  }
0x7e: {  	_ =	shalt  }
0x7f: {  	_ =	shalt  }
0x80: {  	_ =	shalt  }
0x81: {  	_ =	shalt  }
0x82: {  	_ =	shalt  }
0x83: {  	_ =	shalt  }
0x84: {  	_ =	shalt  }
0x85: {  	_ =	shalt  }
0x86: {  	_ =	shalt  }
0x87: {  	_ =	shalt  }
.Lfunc_end0:
.L_simem_size_0:
called_computation_lowered:
.L_overlay_start_0:
0x88: {  	s2 =	sld [smem:$0x3FD9]  }
0x89: {  	s3 =	sld [smem:$0x3FFE];
	_ =	sdelay $0x1  }
0x8a: {  	s1 =	srdreg.scid  }
0x8b: {  	s0 =	sand.u32 $0x1, s1  }
0x8c: {  	s14 =	sshll.u32 s0, $0xA;
	s2 =	sadd.s32 s3, s2  }
0x8d: {  	s2 =	sadd.s32 s2, s14  }
0x8e: {  	[smem:$0x3FBC] =	sst s2  }
0x8f: {  	_ = 	snop  }
0x90: {  	s2 =	sld [smem:$0x3FD0];
	_ =	sdelay $0x2  }
0x91: {  	s15 =	simm.s32 $0xB;
	s4 =	simm.s32 $0x10  }
0x92: {  	[smem:s4], [sflag:s15] =	dma.local [hbm:s2], $0x1  }
0x93: {  	_ =	swait.eq [sflag:s15], $0x1  }
0x94: {  	[sflag:s15] =	ssyncset.done $0x0  }
0x95: {  	[sflag:s15] =	ssyncadd.s32 $0xFFFFFFFF  }
0x96: {  	s16 =	sld [smem:$0x11];
	(tm) =	ssettm $0x1  }
0x97: {  	s17 =	sld [smem:$0x3FFB];
	_ =	sdelay $0x3  }
0x98: {  	_ =	strace s17  }
0x99: {  	s3 =	sld [smem:$0x3FFC];
	_ =	sdelay $0x3  }
0x9a: {  	_ =	strace s3  }
0x9b: {  	s3 =	sld [smem:$0x3FFD];
	_ =	sdelay $0x3  }
0x9c: {  	_ =	strace s3  }
0x9d: {  	_ =	strace $0x8FFFFFFF  }
0x9e: {  	s18 =	sld [smem:$0x3FDB];
	_ =	sdelay $0x1  }
0x9f: {  	s19 =	simm.s32 $_scs_section_size  }
0xa0: {  	s5 =	simm.s32 $_size__tile_overlayer_lowered;
	s6 =	simm.s32 $_tile_overlayer_lowered  }
0xa1: {  	s22 =	simm.s32 $0x1BFF;
	s21 =	sshll.u32 s6, $0x1;
	s3 =	sadd.s32 s19, s18  }
0xa2: {  	s7 =	simm.s32 $0x0;
	s20 =	sshll.u32 s5, $0x1;
	s5 =	sadd.s32 s21, s3  }
0xa3: {  	[timem:s7], [sflag:s22] =	dma.local [hbm:s5], s20  }
0xa4: {  	_ =	swait.ge [sflag:s22], s20  }
0xa5: {  	s4 =	ssub.s32 $0x0, s20;
	[sflag:s22] =	ssyncset.done $0x0  }
0xa6: {  	[sflag:s22] =	ssyncadd.s32 s4;
	_ =	sdelay $0x1  }
0xa7: {  	s23 =	simm.s32 $0x1B8B  }
0xa8: {  	_ =	swait.ge [sflag:s23], $0x1  }
0xa9: {  	[sflag:s23] =	ssyncset.done $0x0  }
0xaa: {  	s25 =	simm.s32 $0x1B8E;
	s24 =	sld [smem:$0x3FFE];
	[sflag:s23] =	ssyncadd.s32 $0xFFFFFFFF  }
0xab: {  	s26 =	simm.s32 $execute0_lowered;
	[smem:$0x3FD2] =	sst s25  }
0xac: {  	s5 =	sshll.u32 s26, $0x1;
	_ =	strace $0x80000046;
	[dreg:$0x1] =	wrdreg $0xFFFFFFFF  }
0xad: {  	s28 =	simm.s32 $_size_execute0_lowered;
	s3 =	sadd.s32 s3, s5;
	[dreg:$0x0] =	wrdreg $0x0  }
0xae: {  	s5 =	sshll.u32 s28, $0x1;
	[dreg:$0x2] =	wrdreg s3  }
0xaf: {  	[dreg:$0x3] =	wrdreg s5  }
0xb0: {  	[dreg:$0x4] =	wrdreg $0xC0  }
0xb1: {  	_ =	task [dreg:s7], $0x5FFFF  }
0xb2: {  	[dreg:$0x1] =	wrdreg $0xFFFFFFFF  }
0xb3: {  	[dreg:$0x0] =	wrdreg $0x60  }
0xb4: {  	[dreg:$0x2] =	wrdreg s24  }
0xb5: {  	[dreg:$0x3] =	wrdreg s16  }
0xb6: {  	[dreg:$0x4] =	wrdreg $0x40800  }
0xb7: {  	[dreg:$0x5] =	wrdreg $0x9  }
0xb8: {  	_ =	task.clear_ibuf [dreg:s7], $0x6FFFF;
	_ =	strace $0x90000046  }
0xb9: {  	s29 =	simm.s32 $0x9;
	_ =	strace $0x80000048  }
0xba: {  	_ =	swait.ge [sflag:s29], $0x1  }
0xbb: {  	[sflag:s29] =	ssyncadd.s32 $0xFFFFFFFF  }
0xbc: {  	_ =	strace $0x90000048  }
0xbd: {  	_ =	sfence  }
0xbe: {  	s30 =	sld [smem:$0x0];
	_ =	sdelay $0x2  }
0xbf: {  	s31 =	sshll.u32 s1, $0xD;
	s1 =	sshrl.u32 s1, $0x2  }
0xc0: {  	s3 =	sand.u32 $0x4000, s31;
	s1 =	sadd.s32 s1, s30  }
0xc1: {  	s0 =	sor.u32 s3, s0;
	s1 =	sshll.u32 s1, $0x11  }
0xc2: {  	s0 =	sor.u32 s1, s0  }
0xc3: {  	s0 =	sadd.s32 $0x8F2B, s0  }
0xc4: {  	[sflag:s0] =	ssyncadd.remote.s32 $0x1  }
0xc5: {  	_ =	sfence.sel $0xFFFF  }
0xc6: {  	[dreg:$0x0] =	wrdreg $0xFFFFFFFF;
	(pc) =	sbr.abs _section_cstart, $3  }
0xc7: {  	[dreg:$0x1] =	wrdreg $0xFFFFFFFF  }
0xc8: {  	_ =	task.clear_ibuf [dreg:s7], $0x2FFFF;
	_ =	strace $0x9FFFFFFF  }
0xc9: {  	(tm) =	ssettm $0x7FFFFFFF  }
tec
execute0_lowered:
.L_overlay_start_1:
0x0: {  	(tag) =	ssettag $0x1  }
0x1: {  	s1 =	stileid.u32  }
0x2: {  	s4 =	rddreg [dreg:$0x0];
	s5 =	smul.u32 $0x4F000, s1  }
0x3: {  	s9 =	rddreg [dreg:$0x1];
	s7 =	smul.u32 $0x2800, s1  }
0x4: {  	s6 =	srdreg.scid;
	s25 =	smul.u32 $0x50000, s1  }
0x5: {  	s2 =	rddreg [dreg:$0x2];
	s6 =	sand.u32 $0x1, s6;
	s12 =	smul.u32 $0x4F00, s1  }
0x6: {  	s0 =	rddreg [dreg:$0x3];
	s3 =	simm.s32 $0x0;
	s8 =	smul.u32 $0x28000, s6  }
0x7: {  	[smem:$0x7FF] =	sst s3;
	s30 =	sshll.u32 s1, $0x6;
	s29 =	smul.u32 $0x2780, s6  }
0x8: {  	_ =	strace $0x80000047;
	s26 =	ssub.s32 $0x2, s6;
	s15 =	smul.u32 $0x27800, s6  }
0x9: {  	s10 =	sadd.s32 s5, s4;
	s28 =	sshrl.u32 s26, $0x1;
	s5 =	sor.u32 $0x1C01, s30  }
0xa: {  	s24 =	sadd.s32 s7, s8;
	s7 =	sadd.s32 s7, s4;
	s8 =	sshrl.u32 s25, $0x2  }
0xb: {  	s13 =	ssub.s32 s26, s28;
	s10 =	sadd.s32 s15, s10;
	s11 =	sadd.s32 s24, s4  }
0xc: {  	s14 =	sadd.s32 s8, s2;
	s4 =	sadd.s32 $0x4F0000, s7;
	s8 =	sadd.s32 s29, s12  }
0xd: {  	s7 =	smax.u32 s13, $0x1;
	s12 =	simm.s32 $0x80;
	s13 =	simm.s32 $0x0  }
0xe: {  	s6 =	sadd.s32 $0x518000, s11;
	s31 =	sshrl.u32 s8, $0x3;
	s8 =	sadd.s32 $0x9D2000, s10  }
0xf: {  	s10 =	sshrl.u32 s14, $0x3;
	s11 =	simm.s32 $0x1;
	s9 =	sadd.s32 s31, s9  }
.LBB2_1:
0x10: {  	[spmem:s10], [sflag:s5] =	dma.local [hbm:s4], $0x2800  }
0x11: {  	_ =	swait.ge [sflag:s11], $0x2800  }
0x12: {  	[sflag:s11] =	ssyncset.done $0x0  }
0x13: {  	[sflag:s11] =	ssyncadd.s32 $0xFFFFD800  }
0x14: {  	s14 =	sadd.s32 $0x0, s9;
	[bflag:$0x0] =	sbarrier.arrive $0xFFFF  }
0x15: {  	[tilespmem:s3], [sflag:$0x1] =	stream.linear.gather [hbm4b:s14+s3], $0x80, $0x38;
	[tilespmem:$0x18080] =	vst v63  }
0x16: {  	_ =	swait.ge [sflag:s11], $0x80  }
0x17: {  	[sflag:s11] =	ssyncset.done $0x0  }
0x18: {  	[sflag:s11] =	ssyncadd.s32 $0xFFFFFF80  }
0x19: {  	[tilespmem:s12], [sflag:$0x1] =	stream.linear.gather [hbm4b:s8+s3], $0x4000, $0x38;
	[tilespmem:$0x18080] =	vst v63  }
0x1a: {  	_ =	swait.ge [sflag:s11], $0x4000  }
0x1b: {  	[sflag:s11] =	ssyncset.done $0x0  }
0x1c: {  	[sflag:s11] =	ssyncadd.s32 $0xFFFFC000  }
0x1d: {  	[spmem:s2] =	stream.indirect.scatter.add.f32 [tilespmem:s12], [sflag:$0x1], $0x80, s3, s12, $0xb8;
	[tilespmem:$0x18080] =	vst v63  }
0x1e: {  	s15 =	simm.s32 $0x10;
	_ =	swait.ge [sflag:s11], $0x4000  }
0x1f: {  	s16 =	simm.s32 $0x20;
	s14 =	sadd.s32 $0x800, s8;
	[sflag:s11] =	ssyncset.done $0x0  }
.LBB2_2:
0x20: {  	s17 =	sadd.s32 s15, s9  }
0x21: {  	[sflag:s11] =	ssyncadd.s32 $0xFFFFC000;
	s15 =	smov.u32 s16;
	s18 =	sadd.s32 $0x10, s16  }
0x22: {  	[tilespmem:s3], [sflag:$0x1] =	stream.linear.gather [hbm4b:s17+s3], $0x80, $0x38;
	[tilespmem:$0x18080] =	vst v63  }
0x23: {  	p0 =	sne.s32 s16, $0x4E0;
	_ =	swait.ge [sflag:s11], $0x80  }
0x24: {  	[sflag:s11] =	ssyncset.done $0x0  }
0x25: {  	[sflag:s11] =	ssyncadd.s32 $0xFFFFFF80  }
0x26: {  	[tilespmem:s12], [sflag:$0x1] =	stream.linear.gather [hbm4b:s14+s3], $0x4000, $0x38;
	[tilespmem:$0x18080] =	vst v63  }
0x27: {  	_ =	swait.ge [sflag:s11], $0x4000  }
.Ltmp0:
0x28: {  	[sflag:s11] =	ssyncset.done $0x0;
	(pc) =	sbr.rel @p0 .LBB2_2-.Ltmp0, $4  }
0x29: {  	[sflag:s11] =	ssyncadd.s32 $0xFFFFC000  }
0x2a: {  	[spmem:s2] =	stream.indirect.scatter.add.f32 [tilespmem:s12], [sflag:$0x1], $0x80, s3, s12, $0xb8;
	[tilespmem:$0x18080] =	vst v63  }
0x2b: {  	_ =	swait.ge [sflag:s11], $0x4000  }
0x2c: {  	s16 =	smov.u32 s18;
	s14 =	sadd.s32 $0x800, s14;
	[sflag:s11] =	ssyncset.done $0x0  }
0x2d: {  	s15 =	sadd.s32 s15, s9;
	[sflag:s11] =	ssyncadd.s32 $0xFFFFC000  }
0x2e: {  	[tilespmem:s3], [sflag:$0x1] =	stream.linear.gather [hbm4b:s15+s3], $0x80, $0x38;
	[tilespmem:$0x18080] =	vst v63  }
0x2f: {  	_ =	swait.ge [sflag:s11], $0x80  }
0x30: {  	[sflag:s11] =	ssyncset.done $0x0  }
0x31: {  	[sflag:s11] =	ssyncadd.s32 $0xFFFFFF80  }
0x32: {  	[tilespmem:s12], [sflag:$0x1] =	stream.linear.gather [hbm4b:s14+s3], $0x4000, $0x38;
	[tilespmem:$0x18080] =	vst v63  }
0x33: {  	_ =	swait.ge [sflag:s11], $0x4000  }
0x34: {  	[sflag:s11] =	ssyncset.done $0x0  }
0x35: {  	[sflag:s11] =	ssyncadd.s32 $0xFFFFC000  }
0x36: {  	[spmem:s2] =	stream.indirect.scatter.add.f32 [tilespmem:s12], [sflag:$0x1], $0x80, s3, s12, $0xb8;
	[tilespmem:$0x18080] =	vst v63  }
0x37: {  	_ =	swait.ge [sflag:s11], $0x4000  }
0x38: {  	s13 =	sadd.s32 $0x1, s13;
	[sflag:s11] =	ssyncset.done $0x0  }
0x39: {  	p0 =	sne.s32 s13, s7;
	[sflag:s11] =	ssyncadd.s32 $0xFFFFC000  }
.Ltmp1:
0x3a: {  	[bflag:$0x0] =	sbarrier.arrive $0xFFFF;
	(pc) =	sbr.rel @p0 .LBB2_1-.Ltmp1, $4  }
0x3b: {  	[hbm:s6], [sflag:s5] =	dma.local [spmem:s10], $0x2800  }
0x3c: {  	_ =	swait.ge [sflag:s11], $0x2800  }
0x3d: {  	[sflag:s11] =	ssyncset.done $0x0  }
0x3e: {  	[sflag:s11] =	ssyncadd.s32 $0xFFFFD800  }
0x3f: {  	_ =	sfence.sel $0x180000  }
0x40: {  	[bflag:$0x0] =	sbarrier.arrive $0xFFFF  }
0x41: {  	p0 =	sne.s32 s1, $0x0;
	_ =	strace $0x90000047  }
0x42: {  	s0 =	sadd.s32 @!p0 $0x100000, s0;
	[bflag:$0x2] =	sbarrier.arrive $0xFFFF  }
0x43: {  	[sflag:s0] =	ssyncadd.tile.s32 @!p0 $0x1;
	_ =	shalt  }
.Lfunc_end2:
_tile_overlayer_lowered:
.L_overlay_start_2:
0x44: {  	(tag) =	ssettag $0x2  }
0x45: {  	s0 =	rddreg [dreg:$0x0];
	s2 =	stileid.u32  }
0x46: {  	s1 =	rddreg [dreg:$0x1];
	p0 =	sne.s32 s2, $0x0  }
0x47: {  	s3 =	rddreg [dreg:$0x2];
	[bflag:$0x3] =	sbarrier.arrive $0xFFFF;
	s2 =	simm.s32 @!p0 $0x1C01  }
0x48: {  	[timem:s3], [sflag:s2] =	dma.local @!p0 [hbm:s0], s1  }
0x49: {  	s0 =	simm.s32 @!p0 $0x1  }
0x4a: {  	_ =	swait.ge @!p0 [sflag:s0], s1  }
0x4b: {  	s1 =	ssub.s32 @!p0 $0x0, s1;
	[sflag:s0] =	ssyncset.done @!p0 $0x0  }
0x4c: {  	[sflag:s0] =	ssyncadd.s32 @!p0 s1  }
0x4d: {  	[bflag:$0x3] =	sbarrier.arrive $0xFFFF  }
0x4e: {  	_ =	shalt  }

// kernel: kernel.16.cloned.1.call-start
scs
__scs_entry_jumppad:
0x0: {  	(pc) =	sbr.rel $0x88, $3  }
0x1: {  	(tag) =	ssettag $0x0;
	lr =	simm.s32 $0x1  }
0x2: {  	[smem:$0x3F95] =	sst lr;
	_ =	strace $0xD0000000  }
0x3: {  	_ = 	snop  }
0x4: {  	_ = 	snop  }
0x5: {  	_ = 	snop  }
0x6: {  	_ = 	snop  }
0x7: {  	_ = 	snop  }
__scs_overlays_trampoline_lowered:
0x8: {  	[smem:$0x3FA4] =	sst s0  }
0x9: {  	[smem:$0x3FA5] =	sst s1  }
0xa: {  	[smem:$0x3FA6] =	sst s2  }
0xb: {  	[smem:$0x3FA7] =	sst s3  }
0xc: {  	[smem:$0x3FA8] =	sst s4  }
0xd: {  	[smem:$0x3FA9] =	sst s5  }
0xe: {  	[smem:$0x3FAA] =	sst s6  }
0xf: {  	[smem:$0x3FAB] =	sst s7  }
0x10: {  	[smem:$0x3FAC] =	sst s8  }
0x11: {  	[smem:$0x3FAD] =	sst s9;
	s0 =	simm.s32 @!p0 $0x0  }
0x12: {  	s1 =	sld [smem:$0x3F93];
	s0 =	simm.s32 @p0 $0x1  }
0x13: {  	[smem:$0x3FAE] =	sst s0;
	s0 =	simm.s32 @!p1 $0x0  }
0x14: {  	s2 =	sld [smem:$0x3F92];
	s0 =	simm.s32 @p1 $0x1  }
0x15: {  	[smem:$0x3FAF] =	sst s0;
	s0 =	simm.s32 @!p2 $0x0  }
0x16: {  	s3 =	sld [smem:$0x3FDB];
	s0 =	simm.s32 @p2 $0x1  }
0x17: {  	s4 =	simm.s32 $0x1BF5;
	[smem:$0x3FB1] =	sst s0  }
0x18: {  	s0 =	sld [smem:$0x3F94];
	_ =	swait.ge [sflag:s4], $0x0  }
0x19: {  	s7 =	sld [smem:$0x3F95]  }
0x1a: {  	s8 =	sadd.s32 $0xFFFFE003, lr  }
0x1b: {  	s9 =	sadd.s32 $0xFFFFFEF7, lr;
	s5 =	simm.s32 $0xFFFFFFFF;
	p2 =	slt.u32 s8, $0xFFFFF086  }
0x1c: {  	p1 =	slt.u32 s9, $0xF7A;
	s5 =	simm.s32 @!p2 $0x0  }
0x1d: {  	s5 =	simm.s32 @p1 $0x1;
	p0 =	seq.s32 s7, s2  }
0x1e: {  	s7 =	smul.u32 @!p0 $0xF7A, s2;
	p2 =	seq.s32 @!p0 s5, $0x0  }
0x1f: {  	s9 =	smul.u32 $0xF7A, s1;
	s8 =	simm.s32 @!p0 $0x1BF5;
	p2 =	por !p2, p0  }
0x20: {  	[sflag:s8] =	ssyncset.s32 @!p0 $0xFFFFF086;
	s6 =	sadd.s32 @!p0 s3, s7;
	s7 =	simm.s32 @!p0 $0x108  }
0x21: {  	s3 =	sadd.s32 s3, s9;
	s6 =	sadd.s32 @!p0 $0x88, s6;
	s7 =	simm.s32 @p2 $0x1082  }
0x22: {  	[simem:s7], [sflag:s8] =	dma.local @!p0 [hbm:s6], $0xF7A  }
0x23: {  	s9 =	sor.u32 $0xD0000000, s2;
	s6 =	simm.s32 $0x108;
	_ =	swait.ge @!p0 [sflag:s8], $0x0  }
0x24: {  	s3 =	sadd.s32 $0x88, s3;
	s6 =	simm.s32 @!p1 $0x1082;
	[sflag:s4] =	ssyncset.s32 $0xFFFFF086  }
0x25: {  	[simem:s6], [sflag:s4] =	dma.local [hbm:s3], $0xF7A  }
0x26: {  	[smem:$0x3F95] =	sst s1;
	(tag) =	ssettag s2;
	_ =	strace s9  }
0x27: {  	s1 =	sld [smem:$0x3FA5]  }
0x28: {  	s2 =	sld [smem:$0x3FA6]  }
0x29: {  	s4 =	sld [smem:$0x3FA8]  }
0x2a: {  	p0 =	seq.s32 s5, $0x0;
	s5 =	sld [smem:$0x3FA9]  }
0x2b: {  	s6 =	sld [smem:$0x3FAA]  }
0x2c: {  	s7 =	sld [smem:$0x3FAB]  }
0x2d: {  	s3 =	simm.s32 $0x108;
	s8 =	sld [smem:$0x3FAC]  }
0x2e: {  	s3 =	simm.s32 @!p0 $0x1082;
	s9 =	sld [smem:$0x3FAD]  }
0x2f: {  	lr =	sadd.s32 s0, s3;
	s0 =	sld [smem:$0x3FA4]  }
0x30: {  	s3 =	sld [smem:$0x3FA7]  }
0x31: {  	[smem:$0x3FB0] =	sst s10  }
0x32: {  	s10 =	sld [smem:$0x3FAE];
	_ =	sdelay $0x3  }
0x33: {  	p0 =	seq.s32 s10, $0x1;
	s10 =	sld [smem:$0x3FB0];
	_ =	sdelay $0x3  }
0x34: {  	[smem:$0x3FB0] =	sst s10  }
0x35: {  	s10 =	sld [smem:$0x3FAF];
	_ =	sdelay $0x3  }
0x36: {  	p1 =	seq.s32 s10, $0x1;
	s10 =	sld [smem:$0x3FB0];
	_ =	sdelay $0x3  }
0x37: {  	[smem:$0x3FB0] =	sst s10  }
0x38: {  	s10 =	sld [smem:$0x3FB1]  }
0x39: {  	_ = 	snop;
	(pc) =	sbr.ind lr, $3  }
0x3a: {  	_ = 	snop  }
0x3b: {  	_ = 	snop  }
0x3c: {  	p2 =	seq.s32 s10, $0x1;
	s10 =	sld [smem:$0x3FB0]  }
0x3d: {  	_ =	shalt  }
0x3e: {  	_ =	shalt  }
0x3f: {  	_ =	shalt  }
0x40: {  	_ =	shalt  }
0x41: {  	_ =	shalt  }
0x42: {  	_ =	shalt  }
0x43: {  	_ =	shalt  }
0x44: {  	_ =	shalt  }
0x45: {  	_ =	shalt  }
0x46: {  	_ =	shalt  }
0x47: {  	_ =	shalt  }
0x48: {  	_ =	shalt  }
0x49: {  	_ =	shalt  }
0x4a: {  	_ =	shalt  }
0x4b: {  	_ =	shalt  }
0x4c: {  	_ =	shalt  }
0x4d: {  	_ =	shalt  }
0x4e: {  	_ =	shalt  }
0x4f: {  	_ =	shalt  }
0x50: {  	_ =	shalt  }
0x51: {  	_ =	shalt  }
0x52: {  	_ =	shalt  }
0x53: {  	_ =	shalt  }
0x54: {  	_ =	shalt  }
0x55: {  	_ =	shalt  }
0x56: {  	_ =	shalt  }
0x57: {  	_ =	shalt  }
0x58: {  	_ =	shalt  }
0x59: {  	_ =	shalt  }
0x5a: {  	_ =	shalt  }
0x5b: {  	_ =	shalt  }
0x5c: {  	_ =	shalt  }
0x5d: {  	_ =	shalt  }
0x5e: {  	_ =	shalt  }
0x5f: {  	_ =	shalt  }
0x60: {  	_ =	shalt  }
0x61: {  	_ =	shalt  }
0x62: {  	_ =	shalt  }
0x63: {  	_ =	shalt  }
0x64: {  	_ =	shalt  }
0x65: {  	_ =	shalt  }
0x66: {  	_ =	shalt  }
0x67: {  	_ =	shalt  }
0x68: {  	_ =	shalt  }
0x69: {  	_ =	shalt  }
0x6a: {  	_ =	shalt  }
0x6b: {  	_ =	shalt  }
0x6c: {  	_ =	shalt  }
0x6d: {  	_ =	shalt  }
0x6e: {  	_ =	shalt  }
0x6f: {  	_ =	shalt  }
0x70: {  	_ =	shalt  }
0x71: {  	_ =	shalt  }
0x72: {  	_ =	shalt  }
0x73: {  	_ =	shalt  }
0x74: {  	_ =	shalt  }
0x75: {  	_ =	shalt  }
0x76: {  	_ =	shalt  }
0x77: {  	_ =	shalt  }
0x78: {  	_ =	shalt  }
0x79: {  	_ =	shalt  }
0x7a: {  	_ =	shalt  }
0x7b: {  	_ =	shalt  }
0x7c: {  	_ =	shalt  }
0x7d: {  	_ =	shalt  }
0x7e: {  	_ =	shalt  }
0x7f: {  	_ =	shalt  }
0x80: {  	_ =	shalt  }
0x81: {  	_ =	shalt  }
0x82: {  	_ =	shalt  }
0x83: {  	_ =	shalt  }
0x84: {  	_ =	shalt  }
0x85: {  	_ =	shalt  }
0x86: {  	_ =	shalt  }
0x87: {  	_ =	shalt  }
.Lfunc_end0:
.L_simem_size_0:
called_computation.1_lowered:
.L_overlay_start_0:
0x88: {  	s2 =	sld [smem:$0x3FD9]  }
0x89: {  	s3 =	sld [smem:$0x3FFE];
	_ =	sdelay $0x1  }
0x8a: {  	s1 =	srdreg.scid  }
0x8b: {  	s0 =	sand.u32 $0x1, s1  }
0x8c: {  	s14 =	sshll.u32 s0, $0xA;
	s2 =	sadd.s32 s3, s2  }
0x8d: {  	s2 =	sadd.s32 s2, s14  }
0x8e: {  	[smem:$0x3FBC] =	sst s2  }
0x8f: {  	_ = 	snop  }
0x90: {  	s2 =	sld [smem:$0x3FD0];
	_ =	sdelay $0x2  }
0x91: {  	s15 =	simm.s32 $0xB;
	s4 =	simm.s32 $0x10  }
0x92: {  	[smem:s4], [sflag:s15] =	dma.local [hbm:s2], $0x1  }
0x93: {  	_ =	swait.eq [sflag:s15], $0x1  }
0x94: {  	[sflag:s15] =	ssyncset.done $0x0  }
0x95: {  	s16 =	sld [smem:$0x10];
	[sflag:s15] =	ssyncadd.s32 $0xFFFFFFFF  }
0x96: {  	s17 =	sld [smem:$0x11];
	(tm) =	ssettm $0x1  }
0x97: {  	s18 =	sld [smem:$0x3FFB];
	_ =	sdelay $0x3  }
0x98: {  	_ =	strace s18  }
0x99: {  	s4 =	sld [smem:$0x3FFC];
	_ =	sdelay $0x3  }
0x9a: {  	_ =	strace s4  }
0x9b: {  	s4 =	sld [smem:$0x3FFD];
	_ =	sdelay $0x3  }
0x9c: {  	_ =	strace s4  }
0x9d: {  	_ =	strace $0x8FFFFFFF  }
0x9e: {  	s19 =	sld [smem:$0x3FDB];
	_ =	sdelay $0x1  }
0x9f: {  	s5 =	simm.s32 $_scs_section_size  }
0xa0: {  	s6 =	simm.s32 $_size__tile_overlayer_lowered;
	s7 =	simm.s32 $_tile_overlayer_lowered  }
0xa1: {  	s22 =	simm.s32 $0x1BFF;
	s21 =	sshll.u32 s7, $0x1;
	s4 =	sadd.s32 s5, s19  }
0xa2: {  	s8 =	simm.s32 $0x0;
	s20 =	sshll.u32 s6, $0x1;
	s6 =	sadd.s32 s21, s4  }
0xa3: {  	[timem:s8], [sflag:s22] =	dma.local [hbm:s6], s20  }
0xa4: {  	_ =	swait.ge [sflag:s22], s20  }
0xa5: {  	s5 =	ssub.s32 $0x0, s20;
	[sflag:s22] =	ssyncset.done $0x0  }
0xa6: {  	[sflag:s22] =	ssyncadd.s32 s5;
	_ =	sdelay $0x1  }
0xa7: {  	s23 =	simm.s32 $0x1B8B  }
0xa8: {  	_ =	swait.ge [sflag:s23], $0x1  }
0xa9: {  	[sflag:s23] =	ssyncset.done $0x0  }
0xaa: {  	s25 =	simm.s32 $0x1B8E;
	s24 =	sld [smem:$0x3FFE];
	[sflag:s23] =	ssyncadd.s32 $0xFFFFFFFF  }
0xab: {  	s26 =	simm.s32 $execute0_lowered;
	[smem:$0x3FD2] =	sst s25  }
0xac: {  	s6 =	sshll.u32 s26, $0x1;
	_ =	strace $0x80000049;
	[dreg:$0x1] =	wrdreg $0xFFFFFFFF  }
0xad: {  	s28 =	simm.s32 $_size_execute0_lowered;
	s4 =	sadd.s32 s4, s6;
	[dreg:$0x0] =	wrdreg $0x0  }
0xae: {  	s6 =	sshll.u32 s28, $0x1;
	[dreg:$0x2] =	wrdreg s4  }
0xaf: {  	[dreg:$0x3] =	wrdreg s6  }
0xb0: {  	[dreg:$0x4] =	wrdreg $0xC0  }
0xb1: {  	_ =	task [dreg:s8], $0x5FFFF  }
0xb2: {  	[dreg:$0x1] =	wrdreg $0xFFFFFFFF  }
0xb3: {  	[dreg:$0x0] =	wrdreg $0x60  }
0xb4: {  	[dreg:$0x2] =	wrdreg s17  }
0xb5: {  	[dreg:$0x3] =	wrdreg s16  }
0xb6: {  	[dreg:$0x4] =	wrdreg s24  }
0xb7: {  	[dreg:$0x5] =	wrdreg $0x9  }
0xb8: {  	_ =	task.clear_ibuf [dreg:s8], $0x6FFFF;
	_ =	strace $0x90000049  }
0xb9: {  	s29 =	simm.s32 $0x9;
	_ =	strace $0x8000004B  }
0xba: {  	_ =	swait.ge [sflag:s29], $0x1  }
0xbb: {  	[sflag:s29] =	ssyncadd.s32 $0xFFFFFFFF  }
0xbc: {  	_ =	strace $0x9000004B  }
0xbd: {  	_ =	sfence  }
0xbe: {  	s30 =	sld [smem:$0x0];
	_ =	sdelay $0x2  }
0xbf: {  	s31 =	sshll.u32 s1, $0xD;
	s1 =	sshrl.u32 s1, $0x2  }
0xc0: {  	s3 =	sand.u32 $0x4000, s31;
	s1 =	sadd.s32 s1, s30  }
0xc1: {  	s0 =	sor.u32 s3, s0;
	s1 =	sshll.u32 s1, $0x11  }
0xc2: {  	s0 =	sor.u32 s1, s0  }
0xc3: {  	s0 =	sadd.s32 $0x8F2B, s0  }
0xc4: {  	[sflag:s0] =	ssyncadd.remote.s32 $0x1  }
0xc5: {  	_ =	sfence.sel $0xFFFF  }
0xc6: {  	[dreg:$0x0] =	wrdreg $0xFFFFFFFF;
	(pc) =	sbr.abs _section_cstart, $3  }
0xc7: {  	[dreg:$0x1] =	wrdreg $0xFFFFFFFF  }
0xc8: {  	_ =	task.clear_ibuf [dreg:s8], $0x2FFFF;
	_ =	strace $0x9FFFFFFF  }
0xc9: {  	(tm) =	ssettm $0x7FFFFFFF  }
tec
execute0_lowered:
.L_overlay_start_1:
0x0: {  	(tag) =	ssettag $0x1  }
0x1: {  	s2 =	rddreg [dreg:$0x0]  }
0x2: {  	s4 =	rddreg [dreg:$0x1]  }
0x3: {  	s5 =	rddreg [dreg:$0x2]  }
0x4: {  	s3 =	srdreg.scid;
	s1 =	stileid.u32  }
0x5: {  	s0 =	rddreg [dreg:$0x3];
	s11 =	simm.s32 $0x0;
	s6 =	sand.u32 $0x1, s3  }
0x6: {  	s7 =	smul.u32 $0x288000, s1;
	s3 =	simm.s32 $0x0;
	s9 =	sshll.u32 s1, $0x1  }
0x7: {  	s8 =	smul.u32 $0x144000, s6;
	[smem:$0x7FF] =	sst s3;
	s10 =	ssub.s32 $0x2, s6  }
0x8: {  	s6 =	sor.u32 s6, s9;
	s9 =	simm.s32 $0x2880;
	s31 =	sshrl.u32 s10, $0x1  }
0x9: {  	s6 =	smul.u32 $0x510, s6;
	_ =	strace $0x8000004A;
	s7 =	sadd.s32 s8, s7  }
0xa: {  	s8 =	ssub.s32 s10, s31;
	s10 =	simm.s32 $0x1;
	s7 =	sshrl.u32 s7, $0x3  }
0xb: {  	s4 =	sadd.s32 s4, s6;
	s7 =	sadd.s32 s7, s5;
	s5 =	smax.u32 s8, $0x1  }
0xc: {  	s8 =	simm.s32 $0x80;
	s6 =	sadd.s32 $0x572200, s7;
	s7 =	simm.s32 $0x2  }
.LBB2_1:
0xd: {  	[tilespmem:s3], [sflag:$0x2] =	stream.linear.gather [hbm4b:s4+s3], $0x2880, $0x38;
	[tilespmem:$0x6880] =	vst v63  }
0xe: {  	_ =	swait.ge [sflag:s7], $0x2880  }
0xf: {  	[sflag:s7] =	ssyncset.done $0x0  }
0x10: {  	s12 =	simm.s32 $0x0;
	[sflag:s7] =	ssyncadd.s32 $0xFFFFD780  }
0x11: {  	[tilespmem:s9], [sflag:$0x1] =	stream.indirect.gather [hbm4b:s2+s8], $0x80, s12, s8, $0xb8;
	[tilespmem:$0x6880] =	vst v63  }
0x12: {  	_ =	swait.ge [sflag:s10], $0x4000  }
0x13: {  	[sflag:s10] =	ssyncset.done $0x0  }
0x14: {  	[sflag:s10] =	ssyncadd.s32 $0xFFFFC000  }
0x15: {  	[hbm4b:s6+s3] =	stream.linear.scatter [tilespmem:s9], [sflag:$0x2], $0x4000, $0x38;
	[tilespmem:$0x6880] =	vst v63  }
0x16: {  	s13 =	simm.s32 $0x200;
	_ =	swait.ge [sflag:s7], $0x4000  }
0x17: {  	s14 =	simm.s32 $0x400;
	s12 =	sadd.s32 $0x800, s6;
	[sflag:s7] =	ssyncset.done $0x0  }
.LBB2_2:
0x18: {  	s15 =	sshra.s32 s13, $0x2  }
0x19: {  	[sflag:s7] =	ssyncadd.s32 $0xFFFFC000;
	s13 =	smov.u32 s14;
	s16 =	sadd.s32 $0x200, s14  }
0x1a: {  	[tilespmem:s9], [sflag:$0x1] =	stream.indirect.gather [hbm4b:s2+s8], $0x80, s15, s8, $0xb8;
	[tilespmem:$0x6880] =	vst v63  }
0x1b: {  	p0 =	sne.s32 s14, $0xA000;
	_ =	swait.ge [sflag:s10], $0x4000  }
.Ltmp0:
0x1c: {  	[sflag:s10] =	ssyncset.done $0x0;
	(pc) =	sbr.rel @p0 .LBB2_2-.Ltmp0, $4  }
0x1d: {  	[sflag:s10] =	ssyncadd.s32 $0xFFFFC000  }
0x1e: {  	[hbm4b:s12+s3] =	stream.linear.scatter [tilespmem:s9], [sflag:$0x2], $0x4000, $0x38;
	[tilespmem:$0x6880] =	vst v63  }
0x1f: {  	_ =	swait.ge [sflag:s7], $0x4000  }
0x20: {  	s14 =	smov.u32 s16;
	s12 =	sadd.s32 $0x800, s12;
	[sflag:s7] =	ssyncset.done $0x0  }
0x21: {  	s13 =	sshra.s32 s13, $0x2;
	[sflag:s7] =	ssyncadd.s32 $0xFFFFC000  }
0x22: {  	[tilespmem:s9], [sflag:$0x1] =	stream.indirect.gather [hbm4b:s2+s8], $0x80, s13, s8, $0xb8;
	[tilespmem:$0x6880] =	vst v63  }
0x23: {  	s11 =	sadd.s32 $0x1, s11;
	_ =	swait.ge [sflag:s10], $0x4000  }
0x24: {  	p0 =	sne.s32 s11, s5;
	[sflag:s10] =	ssyncset.done $0x0  }
.Ltmp1:
0x25: {  	[sflag:s10] =	ssyncadd.s32 $0xFFFFC000;
	(pc) =	sbr.rel @p0 .LBB2_1-.Ltmp1, $4  }
0x26: {  	[hbm4b:s12+s3] =	stream.linear.scatter [tilespmem:s9], [sflag:$0x2], $0x4000, $0x38;
	[tilespmem:$0x6880] =	vst v63  }
0x27: {  	_ =	swait.ge [sflag:s7], $0x4000  }
0x28: {  	[sflag:s7] =	ssyncset.done $0x0  }
0x29: {  	[sflag:s7] =	ssyncadd.s32 $0xFFFFC000  }
0x2a: {  	_ =	sfence.sel $0x180000  }
0x2b: {  	[bflag:$0x0] =	sbarrier.arrive $0xFFFF  }
0x2c: {  	p0 =	sne.s32 s1, $0x0;
	_ =	strace $0x9000004A  }
0x2d: {  	s0 =	sadd.s32 @!p0 $0x100000, s0;
	[bflag:$0x2] =	sbarrier.arrive $0xFFFF  }
0x2e: {  	[sflag:s0] =	ssyncadd.tile.s32 @!p0 $0x1;
	_ =	shalt  }
.Lfunc_end2:
_tile_overlayer_lowered:
.L_overlay_start_2:
0x2f: {  	(tag) =	ssettag $0x2  }
0x30: {  	s0 =	rddreg [dreg:$0x0];
	s2 =	stileid.u32  }
0x31: {  	s1 =	rddreg [dreg:$0x1];
	p0 =	sne.s32 s2, $0x0  }
0x32: {  	s3 =	rddreg [dreg:$0x2];
	[bflag:$0x3] =	sbarrier.arrive $0xFFFF;
	s2 =	simm.s32 @!p0 $0x1C02  }
0x33: {  	[timem:s3], [sflag:s2] =	dma.local @!p0 [hbm:s0], s1  }
0x34: {  	s0 =	simm.s32 @!p0 $0x2  }
0x35: {  	_ =	swait.ge @!p0 [sflag:s0], s1  }
0x36: {  	s1 =	ssub.s32 @!p0 $0x0, s1;
	[sflag:s0] =	ssyncset.done @!p0 $0x0  }
0x37: {  	[sflag:s0] =	ssyncadd.s32 @!p0 s1  }
0x38: {  	[bflag:$0x3] =	sbarrier.arrive $0xFFFF  }
0x39: {  	_ =	shalt  }

// kernel: kernel.19.cloned.1.call-start
scs
__scs_entry_jumppad:
0x0: {  	(pc) =	sbr.rel $0x88, $3  }
0x1: {  	(tag) =	ssettag $0x0;
	lr =	simm.s32 $0x1  }
0x2: {  	[smem:$0x3F95] =	sst lr;
	_ =	strace $0xD0000000  }
0x3: {  	_ = 	snop  }
0x4: {  	_ = 	snop  }
0x5: {  	_ = 	snop  }
0x6: {  	_ = 	snop  }
0x7: {  	_ = 	snop  }
__scs_overlays_trampoline_lowered:
0x8: {  	[smem:$0x3FA4] =	sst s0  }
0x9: {  	[smem:$0x3FA5] =	sst s1  }
0xa: {  	[smem:$0x3FA6] =	sst s2  }
0xb: {  	[smem:$0x3FA7] =	sst s3  }
0xc: {  	[smem:$0x3FA8] =	sst s4  }
0xd: {  	[smem:$0x3FA9] =	sst s5  }
0xe: {  	[smem:$0x3FAA] =	sst s6  }
0xf: {  	[smem:$0x3FAB] =	sst s7  }
0x10: {  	[smem:$0x3FAC] =	sst s8  }
0x11: {  	[smem:$0x3FAD] =	sst s9;
	s0 =	simm.s32 @!p0 $0x0  }
0x12: {  	s1 =	sld [smem:$0x3F93];
	s0 =	simm.s32 @p0 $0x1  }
0x13: {  	[smem:$0x3FAE] =	sst s0;
	s0 =	simm.s32 @!p1 $0x0  }
0x14: {  	s2 =	sld [smem:$0x3F92];
	s0 =	simm.s32 @p1 $0x1  }
0x15: {  	[smem:$0x3FAF] =	sst s0;
	s0 =	simm.s32 @!p2 $0x0  }
0x16: {  	s3 =	sld [smem:$0x3FDB];
	s0 =	simm.s32 @p2 $0x1  }
0x17: {  	s4 =	simm.s32 $0x1BF5;
	[smem:$0x3FB1] =	sst s0  }
0x18: {  	s0 =	sld [smem:$0x3F94];
	_ =	swait.ge [sflag:s4], $0x0  }
0x19: {  	s7 =	sld [smem:$0x3F95]  }
0x1a: {  	s8 =	sadd.s32 $0xFFFFE003, lr  }
0x1b: {  	s9 =	sadd.s32 $0xFFFFFEF7, lr;
	s5 =	simm.s32 $0xFFFFFFFF;
	p2 =	slt.u32 s8, $0xFFFFF086  }
0x1c: {  	p1 =	slt.u32 s9, $0xF7A;
	s5 =	simm.s32 @!p2 $0x0  }
0x1d: {  	s5 =	simm.s32 @p1 $0x1;
	p0 =	seq.s32 s7, s2  }
0x1e: {  	s7 =	smul.u32 @!p0 $0xF7A, s2;
	p2 =	seq.s32 @!p0 s5, $0x0  }
0x1f: {  	s9 =	smul.u32 $0xF7A, s1;
	s8 =	simm.s32 @!p0 $0x1BF5;
	p2 =	por !p2, p0  }
0x20: {  	[sflag:s8] =	ssyncset.s32 @!p0 $0xFFFFF086;
	s6 =	sadd.s32 @!p0 s3, s7;
	s7 =	simm.s32 @!p0 $0x108  }
0x21: {  	s3 =	sadd.s32 s3, s9;
	s6 =	sadd.s32 @!p0 $0x88, s6;
	s7 =	simm.s32 @p2 $0x1082  }
0x22: {  	[simem:s7], [sflag:s8] =	dma.local @!p0 [hbm:s6], $0xF7A  }
0x23: {  	s9 =	sor.u32 $0xD0000000, s2;
	s6 =	simm.s32 $0x108;
	_ =	swait.ge @!p0 [sflag:s8], $0x0  }
0x24: {  	s3 =	sadd.s32 $0x88, s3;
	s6 =	simm.s32 @!p1 $0x1082;
	[sflag:s4] =	ssyncset.s32 $0xFFFFF086  }
0x25: {  	[simem:s6], [sflag:s4] =	dma.local [hbm:s3], $0xF7A  }
0x26: {  	[smem:$0x3F95] =	sst s1;
	(tag) =	ssettag s2;
	_ =	strace s9  }
0x27: {  	s1 =	sld [smem:$0x3FA5]  }
0x28: {  	s2 =	sld [smem:$0x3FA6]  }
0x29: {  	s4 =	sld [smem:$0x3FA8]  }
0x2a: {  	p0 =	seq.s32 s5, $0x0;
	s5 =	sld [smem:$0x3FA9]  }
0x2b: {  	s6 =	sld [smem:$0x3FAA]  }
0x2c: {  	s7 =	sld [smem:$0x3FAB]  }
0x2d: {  	s3 =	simm.s32 $0x108;
	s8 =	sld [smem:$0x3FAC]  }
0x2e: {  	s3 =	simm.s32 @!p0 $0x1082;
	s9 =	sld [smem:$0x3FAD]  }
0x2f: {  	lr =	sadd.s32 s0, s3;
	s0 =	sld [smem:$0x3FA4]  }
0x30: {  	s3 =	sld [smem:$0x3FA7]  }
0x31: {  	[smem:$0x3FB0] =	sst s10  }
0x32: {  	s10 =	sld [smem:$0x3FAE];
	_ =	sdelay $0x3  }
0x33: {  	p0 =	seq.s32 s10, $0x1;
	s10 =	sld [smem:$0x3FB0];
	_ =	sdelay $0x3  }
0x34: {  	[smem:$0x3FB0] =	sst s10  }
0x35: {  	s10 =	sld [smem:$0x3FAF];
	_ =	sdelay $0x3  }
0x36: {  	p1 =	seq.s32 s10, $0x1;
	s10 =	sld [smem:$0x3FB0];
	_ =	sdelay $0x3  }
0x37: {  	[smem:$0x3FB0] =	sst s10  }
0x38: {  	s10 =	sld [smem:$0x3FB1]  }
0x39: {  	_ = 	snop;
	(pc) =	sbr.ind lr, $3  }
0x3a: {  	_ = 	snop  }
0x3b: {  	_ = 	snop  }
0x3c: {  	p2 =	seq.s32 s10, $0x1;
	s10 =	sld [smem:$0x3FB0]  }
0x3d: {  	_ =	shalt  }
0x3e: {  	_ =	shalt  }
0x3f: {  	_ =	shalt  }
0x40: {  	_ =	shalt  }
0x41: {  	_ =	shalt  }
0x42: {  	_ =	shalt  }
0x43: {  	_ =	shalt  }
0x44: {  	_ =	shalt  }
0x45: {  	_ =	shalt  }
0x46: {  	_ =	shalt  }
0x47: {  	_ =	shalt  }
0x48: {  	_ =	shalt  }
0x49: {  	_ =	shalt  }
0x4a: {  	_ =	shalt  }
0x4b: {  	_ =	shalt  }
0x4c: {  	_ =	shalt  }
0x4d: {  	_ =	shalt  }
0x4e: {  	_ =	shalt  }
0x4f: {  	_ =	shalt  }
0x50: {  	_ =	shalt  }
0x51: {  	_ =	shalt  }
0x52: {  	_ =	shalt  }
0x53: {  	_ =	shalt  }
0x54: {  	_ =	shalt  }
0x55: {  	_ =	shalt  }
0x56: {  	_ =	shalt  }
0x57: {  	_ =	shalt  }
0x58: {  	_ =	shalt  }
0x59: {  	_ =	shalt  }
0x5a: {  	_ =	shalt  }
0x5b: {  	_ =	shalt  }
0x5c: {  	_ =	shalt  }
0x5d: {  	_ =	shalt  }
0x5e: {  	_ =	shalt  }
0x5f: {  	_ =	shalt  }
0x60: {  	_ =	shalt  }
0x61: {  	_ =	shalt  }
0x62: {  	_ =	shalt  }
0x63: {  	_ =	shalt  }
0x64: {  	_ =	shalt  }
0x65: {  	_ =	shalt  }
0x66: {  	_ =	shalt  }
0x67: {  	_ =	shalt  }
0x68: {  	_ =	shalt  }
0x69: {  	_ =	shalt  }
0x6a: {  	_ =	shalt  }
0x6b: {  	_ =	shalt  }
0x6c: {  	_ =	shalt  }
0x6d: {  	_ =	shalt  }
0x6e: {  	_ =	shalt  }
0x6f: {  	_ =	shalt  }
0x70: {  	_ =	shalt  }
0x71: {  	_ =	shalt  }
0x72: {  	_ =	shalt  }
0x73: {  	_ =	shalt  }
0x74: {  	_ =	shalt  }
0x75: {  	_ =	shalt  }
0x76: {  	_ =	shalt  }
0x77: {  	_ =	shalt  }
0x78: {  	_ =	shalt  }
0x79: {  	_ =	shalt  }
0x7a: {  	_ =	shalt  }
0x7b: {  	_ =	shalt  }
0x7c: {  	_ =	shalt  }
0x7d: {  	_ =	shalt  }
0x7e: {  	_ =	shalt  }
0x7f: {  	_ =	shalt  }
0x80: {  	_ =	shalt  }
0x81: {  	_ =	shalt  }
0x82: {  	_ =	shalt  }
0x83: {  	_ =	shalt  }
0x84: {  	_ =	shalt  }
0x85: {  	_ =	shalt  }
0x86: {  	_ =	shalt  }
0x87: {  	_ =	shalt  }
.Lfunc_end0:
.L_simem_size_0:
called_computation.2_lowered:
.L_overlay_start_0:
0x88: {  	s2 =	sld [smem:$0x3FD9]  }
0x89: {  	s3 =	sld [smem:$0x3FFE];
	_ =	sdelay $0x1  }
0x8a: {  	s1 =	srdreg.scid  }
0x8b: {  	s0 =	sand.u32 $0x1, s1  }
0x8c: {  	s17 =	sshll.u32 s0, $0xA;
	s2 =	sadd.s32 s3, s2  }
0x8d: {  	s2 =	sadd.s32 s2, s17  }
0x8e: {  	[smem:$0x3FBC] =	sst s2  }
0x8f: {  	_ = 	snop  }
0x90: {  	(tm) =	ssettm $0x1  }
0x91: {  	s18 =	sld [smem:$0x3FFB];
	_ =	sdelay $0x3  }
0x92: {  	_ =	strace s18  }
0x93: {  	s2 =	sld [smem:$0x3FFC];
	_ =	sdelay $0x3  }
0x94: {  	_ =	strace s2  }
0x95: {  	s2 =	sld [smem:$0x3FFD];
	_ =	sdelay $0x3  }
0x96: {  	_ =	strace s2  }
0x97: {  	_ =	strace $0x8FFFFFFF  }
0x98: {  	s19 =	sld [smem:$0x3FDB];
	_ =	sdelay $0x1  }
0x99: {  	s20 =	simm.s32 $_scs_section_size  }
0x9a: {  	s4 =	simm.s32 $_size__tile_overlayer_lowered;
	s5 =	simm.s32 $_tile_overlayer_lowered  }
0x9b: {  	s6 =	simm.s32 $0x1BFF;
	s21 =	sshll.u32 s5, $0x1;
	s3 =	sadd.s32 s20, s19  }
0x9c: {  	s22 =	simm.s32 $0x0;
	s4 =	sshll.u32 s4, $0x1;
	s5 =	sadd.s32 s21, s3  }
0x9d: {  	[timem:s22], [sflag:s6] =	dma.local [hbm:s5], s4  }
0x9e: {  	_ =	swait.ge [sflag:s6], s4  }
0x9f: {  	s4 =	ssub.s32 $0x0, s4;
	[sflag:s6] =	ssyncset.done $0x0  }
0xa0: {  	[sflag:s6] =	ssyncadd.s32 s4;
	_ =	sdelay $0x1  }
0xa1: {  	s23 =	simm.s32 $0x1B8B  }
0xa2: {  	_ =	swait.ge [sflag:s23], $0x1  }
0xa3: {  	[sflag:s23] =	ssyncset.done $0x0  }
0xa4: {  	[sflag:s23] =	ssyncadd.s32 $0xFFFFFFFF  }
0xa5: {  	s4 =	sld [smem:$0x0]  }
0xa6: {  	s5 =	sand.u32 $0xFFFFFFFE, s1  }
0xa7: {  	p0 =	sne.s32 s1, s5  }
0xa8: {  	s5 =	sshll.u32 @p0 s5, $0xE  }
0xa9: {  	s5 =	sadd.s32 @p0 $0x11B8D, s5;
	s6 =	sshll.u32 @p0 s4, $0x11  }
0xaa: {  	s5 =	sor.u32 @p0 s6, s5  }
0xab: {  	[sflag:s5] =	ssyncadd.remote.s32 @p0 $0x1;
	_ =	sdelay $0x1  }
0xac: {  	s5 =	simm.s32 @p0 $0x1B8D  }
0xad: {  	_ =	swait.eq @p0 [sflag:s5], $0x1  }
0xae: {  	[sflag:s5] =	ssyncadd.s32 @p0 $0xFFFFFFFF  }
0xaf: {  	s6 =	sshll.u32 @!p0 s1, $0xE  }
0xb0: {  	s6 =	sor.u32 @!p0 $0x4000, s6;
	s5 =	simm.s32 @!p0 $0x1B8D  }
0xb1: {  	s4 =	sshll.u32 @!p0 s4, $0x11;
	s6 =	sadd.s32 @!p0 $0x11B8D, s6;
	_ =	swait.eq @!p0 [sflag:s5], $0x1  }
0xb2: {  	s4 =	sor.u32 @!p0 s4, s6;
	[sflag:s5] =	ssyncadd.s32 @!p0 $0xFFFFFFFF  }
0xb3: {  	s25 =	simm.s32 $0x1B8E;
	s24 =	sld [smem:$0x3FFE];
	[sflag:s4] =	ssyncadd.remote.s32 @!p0 $0x1  }
0xb4: {  	s26 =	simm.s32 $execute0_lowered;
	[smem:$0x3FD2] =	sst s25  }
0xb5: {  	s5 =	sshll.u32 s26, $0x1;
	_ =	strace $0x8000004C;
	[dreg:$0x1] =	wrdreg $0xFFFFFFFF  }
0xb6: {  	s28 =	simm.s32 $_size_execute0_lowered;
	s3 =	sadd.s32 s3, s5;
	[dreg:$0x0] =	wrdreg $0x0  }
0xb7: {  	s5 =	sshll.u32 s28, $0x1;
	[dreg:$0x2] =	wrdreg s3  }
0xb8: {  	[dreg:$0x3] =	wrdreg s5  }
0xb9: {  	[dreg:$0x4] =	wrdreg $0xC0  }
0xba: {  	_ =	task [dreg:s22], $0x5FFFF  }
0xbb: {  	[dreg:$0x1] =	wrdreg $0xFFFFFFFF  }
0xbc: {  	[dreg:$0x0] =	wrdreg $0x60  }
0xbd: {  	[dreg:$0x2] =	wrdreg s24  }
0xbe: {  	[dreg:$0x3] =	wrdreg $0xA  }
0xbf: {  	_ =	task.clear_ibuf [dreg:s22], $0x4FFFF;
	_ =	strace $0x9000004C  }
0xc0: {  	s29 =	simm.s32 $0xA;
	_ =	strace $0x8000004E  }
0xc1: {  	_ =	swait.ge [sflag:s29], $0x1  }
0xc2: {  	[sflag:s29] =	ssyncadd.s32 $0xFFFFFFFF  }
0xc3: {  	_ =	strace $0x9000004E  }
0xc4: {  	_ =	sfence  }
0xc5: {  	s30 =	sld [smem:$0x0];
	_ =	sdelay $0x2  }
0xc6: {  	s31 =	sshll.u32 s1, $0xD;
	s1 =	sshrl.u32 s1, $0x2  }
0xc7: {  	s4 =	sand.u32 $0x4000, s31;
	s1 =	sadd.s32 s1, s30  }
0xc8: {  	s0 =	sor.u32 s4, s0;
	s1 =	sshll.u32 s1, $0x11  }
0xc9: {  	s0 =	sor.u32 s1, s0  }
0xca: {  	s0 =	sadd.s32 $0x8F2B, s0  }
0xcb: {  	[sflag:s0] =	ssyncadd.remote.s32 $0x1  }
0xcc: {  	_ =	sfence.sel $0xFFFF  }
0xcd: {  	[dreg:$0x0] =	wrdreg $0xFFFFFFFF;
	(pc) =	sbr.abs _section_cstart, $3  }
0xce: {  	[dreg:$0x1] =	wrdreg $0xFFFFFFFF  }
0xcf: {  	_ =	task.clear_ibuf [dreg:s22], $0x2FFFF;
	_ =	strace $0x9FFFFFFF  }
0xd0: {  	(tm) =	ssettm $0x7FFFFFFF  }
0xd1: {  	_ =	shalt  }
tec
execute0_lowered:
.L_overlay_start_1:
0x0: {  	(tag) =	ssettag $0x1  }
0x1: {  	s4 =	rddreg [dreg:$0x0]  }
0x2: {  	s0 =	rddreg [dreg:$0x1]  }
0x3: {  	s2 =	simm.s32 $0x0;
	s3 =	srdreg.scid;
	s1 =	stileid.u32  }
0x4: {  	s9 =	simm.s32 $0x2880;
	s10 =	simm.s32 $0x1;
	s11 =	simm.s32 $0x0  }
0x5: {  	s3 =	sand.u32 $0x1, s3;
	s5 =	sshll.u32 s1, $0x1;
	s6 =	smul.u32 $0x288000, s1  }
0x6: {  	[smem:$0x7FF] =	sst s2;
	s5 =	sor.u32 s3, s5;
	s7 =	smul.u32 $0x144000, s3  }
0x7: {  	_ =	strace $0x8000004D;
	s8 =	ssub.s32 $0x2, s3;
	s5 =	smul.u32 $0x510, s5  }
0x8: {  	s3 =	sadd.s32 $0x518000, s4;
	s31 =	sshrl.u32 s8, $0x1;
	s6 =	sadd.s32 s7, s6  }
0x9: {  	s7 =	ssub.s32 s8, s31;
	s5 =	sadd.s32 s5, s4;
	s6 =	sshrl.u32 s6, $0x3  }
0xa: {  	s8 =	simm.s32 $0x80;
	s6 =	sadd.s32 s6, s4;
	s4 =	sadd.s32 $0xA82200, s5  }
0xb: {  	s5 =	smax.u32 s7, $0x1;
	s7 =	simm.s32 $0x2;
	s6 =	sadd.s32 $0xA8C400, s6  }
.LBB2_1:
0xc: {  	[tilespmem:s2], [sflag:$0x2] =	stream.linear.gather [hbm4b:s4+s2], $0x2880, $0x38;
	[tilespmem:$0x6880] =	vst v63  }
0xd: {  	_ =	swait.ge [sflag:s7], $0x2880  }
0xe: {  	[sflag:s7] =	ssyncset.done $0x0  }
0xf: {  	s12 =	simm.s32 $0x0;
	[sflag:s7] =	ssyncadd.s32 $0xFFFFD780  }
0x10: {  	[tilespmem:s9], [sflag:$0x1] =	stream.indirect.gather [hbm4b:s3+s8], $0x80, s12, s8, $0xb8;
	[tilespmem:$0x6880] =	vst v63  }
0x11: {  	_ =	swait.ge [sflag:s10], $0x4000  }
0x12: {  	[sflag:s10] =	ssyncset.done $0x0  }
0x13: {  	[sflag:s10] =	ssyncadd.s32 $0xFFFFC000  }
0x14: {  	[hbm4b:s6+s2] =	stream.linear.scatter [tilespmem:s9], [sflag:$0x2], $0x4000, $0x38;
	[tilespmem:$0x6880] =	vst v63  }
0x15: {  	s13 =	simm.s32 $0x200;
	_ =	swait.ge [sflag:s7], $0x4000  }
0x16: {  	s14 =	simm.s32 $0x400;
	s12 =	sadd.s32 $0x800, s6;
	[sflag:s7] =	ssyncset.done $0x0  }
.LBB2_2:
0x17: {  	s15 =	sshra.s32 s13, $0x2  }
0x18: {  	[sflag:s7] =	ssyncadd.s32 $0xFFFFC000;
	s13 =	smov.u32 s14;
	s16 =	sadd.s32 $0x200, s14  }
0x19: {  	[tilespmem:s9], [sflag:$0x1] =	stream.indirect.gather [hbm4b:s3+s8], $0x80, s15, s8, $0xb8;
	[tilespmem:$0x6880] =	vst v63  }
0x1a: {  	p0 =	sne.s32 s14, $0xA000;
	_ =	swait.ge [sflag:s10], $0x4000  }
.Ltmp0:
0x1b: {  	[sflag:s10] =	ssyncset.done $0x0;
	(pc) =	sbr.rel @p0 .LBB2_2-.Ltmp0, $4  }
0x1c: {  	[sflag:s10] =	ssyncadd.s32 $0xFFFFC000  }
0x1d: {  	[hbm4b:s12+s2] =	stream.linear.scatter [tilespmem:s9], [sflag:$0x2], $0x4000, $0x38;
	[tilespmem:$0x6880] =	vst v63  }
0x1e: {  	_ =	swait.ge [sflag:s7], $0x4000  }
0x1f: {  	s14 =	smov.u32 s16;
	s12 =	sadd.s32 $0x800, s12;
	[sflag:s7] =	ssyncset.done $0x0  }
0x20: {  	s13 =	sshra.s32 s13, $0x2;
	[sflag:s7] =	ssyncadd.s32 $0xFFFFC000  }
0x21: {  	[tilespmem:s9], [sflag:$0x1] =	stream.indirect.gather [hbm4b:s3+s8], $0x80, s13, s8, $0xb8;
	[tilespmem:$0x6880] =	vst v63  }
0x22: {  	s11 =	sadd.s32 $0x1, s11;
	_ =	swait.ge [sflag:s10], $0x4000  }
0x23: {  	p0 =	sne.s32 s11, s5;
	[sflag:s10] =	ssyncset.done $0x0  }
.Ltmp1:
0x24: {  	[sflag:s10] =	ssyncadd.s32 $0xFFFFC000;
	(pc) =	sbr.rel @p0 .LBB2_1-.Ltmp1, $4  }
0x25: {  	[hbm4b:s12+s2] =	stream.linear.scatter [tilespmem:s9], [sflag:$0x2], $0x4000, $0x38;
	[tilespmem:$0x6880] =	vst v63  }
0x26: {  	_ =	swait.ge [sflag:s7], $0x4000  }
0x27: {  	[sflag:s7] =	ssyncset.done $0x0  }
0x28: {  	[sflag:s7] =	ssyncadd.s32 $0xFFFFC000  }
0x29: {  	_ =	sfence.sel $0x180000  }
0x2a: {  	[bflag:$0x0] =	sbarrier.arrive $0xFFFF  }
0x2b: {  	p0 =	sne.s32 s1, $0x0;
	_ =	strace $0x9000004D  }
0x2c: {  	s0 =	sadd.s32 @!p0 $0x100000, s0;
	[bflag:$0x2] =	sbarrier.arrive $0xFFFF  }
0x2d: {  	[sflag:s0] =	ssyncadd.tile.s32 @!p0 $0x1;
	_ =	shalt  }
.Lfunc_end2:
_tile_overlayer_lowered:
.L_overlay_start_2:
0x2e: {  	(tag) =	ssettag $0x2  }
0x2f: {  	s0 =	rddreg [dreg:$0x0];
	s2 =	stileid.u32  }
0x30: {  	s1 =	rddreg [dreg:$0x1];
	p0 =	sne.s32 s2, $0x0  }
0x31: {  	s3 =	rddreg [dreg:$0x2];
	[bflag:$0x3] =	sbarrier.arrive $0xFFFF;
	s2 =	simm.s32 @!p0 $0x1C02  }
0x32: {  	[timem:s3], [sflag:s2] =	dma.local @!p0 [hbm:s0], s1  }
0x33: {  	s0 =	simm.s32 @!p0 $0x2  }
0x34: {  	_ =	swait.ge @!p0 [sflag:s0], s1  }
0x35: {  	s1 =	ssub.s32 @!p0 $0x0, s1;
	[sflag:s0] =	ssyncset.done @!p0 $0x0  }
0x36: {  	[sflag:s0] =	ssyncadd.s32 @!p0 s1  }
0x37: {  	[bflag:$0x3] =	sbarrier.arrive $0xFFFF  }
0x38: {  	_ =	shalt  }

// kernel: kernel.22.cloned.1.call-start
scs
__scs_entry_jumppad:
0x0: {  	(pc) =	sbr.rel $0x88, $3  }
0x1: {  	(tag) =	ssettag $0x0;
	lr =	simm.s32 $0x1  }
0x2: {  	[smem:$0x3F95] =	sst lr;
	_ =	strace $0xD0000000  }
0x3: {  	_ = 	snop  }
0x4: {  	_ = 	snop  }
0x5: {  	_ = 	snop  }
0x6: {  	_ = 	snop  }
0x7: {  	_ = 	snop  }
__scs_overlays_trampoline_lowered:
0x8: {  	[smem:$0x3FA4] =	sst s0  }
0x9: {  	[smem:$0x3FA5] =	sst s1  }
0xa: {  	[smem:$0x3FA6] =	sst s2  }
0xb: {  	[smem:$0x3FA7] =	sst s3  }
0xc: {  	[smem:$0x3FA8] =	sst s4  }
0xd: {  	[smem:$0x3FA9] =	sst s5  }
0xe: {  	[smem:$0x3FAA] =	sst s6  }
0xf: {  	[smem:$0x3FAB] =	sst s7  }
0x10: {  	[smem:$0x3FAC] =	sst s8  }
0x11: {  	[smem:$0x3FAD] =	sst s9;
	s0 =	simm.s32 @!p0 $0x0  }
0x12: {  	s1 =	sld [smem:$0x3F93];
	s0 =	simm.s32 @p0 $0x1  }
0x13: {  	[smem:$0x3FAE] =	sst s0;
	s0 =	simm.s32 @!p1 $0x0  }
0x14: {  	s2 =	sld [smem:$0x3F92];
	s0 =	simm.s32 @p1 $0x1  }
0x15: {  	[smem:$0x3FAF] =	sst s0;
	s0 =	simm.s32 @!p2 $0x0  }
0x16: {  	s3 =	sld [smem:$0x3FDB];
	s0 =	simm.s32 @p2 $0x1  }
0x17: {  	s4 =	simm.s32 $0x1BF5;
	[smem:$0x3FB1] =	sst s0  }
0x18: {  	s0 =	sld [smem:$0x3F94];
	_ =	swait.ge [sflag:s4], $0x0  }
0x19: {  	s7 =	sld [smem:$0x3F95]  }
0x1a: {  	s8 =	sadd.s32 $0xFFFFE003, lr  }
0x1b: {  	s9 =	sadd.s32 $0xFFFFFEF7, lr;
	s5 =	simm.s32 $0xFFFFFFFF;
	p2 =	slt.u32 s8, $0xFFFFF086  }
0x1c: {  	p1 =	slt.u32 s9, $0xF7A;
	s5 =	simm.s32 @!p2 $0x0  }
0x1d: {  	s5 =	simm.s32 @p1 $0x1;
	p0 =	seq.s32 s7, s2  }
0x1e: {  	s7 =	smul.u32 @!p0 $0xF7A, s2;
	p2 =	seq.s32 @!p0 s5, $0x0  }
0x1f: {  	s9 =	smul.u32 $0xF7A, s1;
	s8 =	simm.s32 @!p0 $0x1BF5;
	p2 =	por !p2, p0  }
0x20: {  	[sflag:s8] =	ssyncset.s32 @!p0 $0xFFFFF086;
	s6 =	sadd.s32 @!p0 s3, s7;
	s7 =	simm.s32 @!p0 $0x108  }
0x21: {  	s3 =	sadd.s32 s3, s9;
	s6 =	sadd.s32 @!p0 $0x88, s6;
	s7 =	simm.s32 @p2 $0x1082  }
0x22: {  	[simem:s7], [sflag:s8] =	dma.local @!p0 [hbm:s6], $0xF7A  }
0x23: {  	s9 =	sor.u32 $0xD0000000, s2;
	s6 =	simm.s32 $0x108;
	_ =	swait.ge @!p0 [sflag:s8], $0x0  }
0x24: {  	s3 =	sadd.s32 $0x88, s3;
	s6 =	simm.s32 @!p1 $0x1082;
	[sflag:s4] =	ssyncset.s32 $0xFFFFF086  }
0x25: {  	[simem:s6], [sflag:s4] =	dma.local [hbm:s3], $0xF7A  }
0x26: {  	[smem:$0x3F95] =	sst s1;
	(tag) =	ssettag s2;
	_ =	strace s9  }
0x27: {  	s1 =	sld [smem:$0x3FA5]  }
0x28: {  	s2 =	sld [smem:$0x3FA6]  }
0x29: {  	s4 =	sld [smem:$0x3FA8]  }
0x2a: {  	p0 =	seq.s32 s5, $0x0;
	s5 =	sld [smem:$0x3FA9]  }
0x2b: {  	s6 =	sld [smem:$0x3FAA]  }
0x2c: {  	s7 =	sld [smem:$0x3FAB]  }
0x2d: {  	s3 =	simm.s32 $0x108;
	s8 =	sld [smem:$0x3FAC]  }
0x2e: {  	s3 =	simm.s32 @!p0 $0x1082;
	s9 =	sld [smem:$0x3FAD]  }
0x2f: {  	lr =	sadd.s32 s0, s3;
	s0 =	sld [smem:$0x3FA4]  }
0x30: {  	s3 =	sld [smem:$0x3FA7]  }
0x31: {  	[smem:$0x3FB0] =	sst s10  }
0x32: {  	s10 =	sld [smem:$0x3FAE];
	_ =	sdelay $0x3  }
0x33: {  	p0 =	seq.s32 s10, $0x1;
	s10 =	sld [smem:$0x3FB0];
	_ =	sdelay $0x3  }
0x34: {  	[smem:$0x3FB0] =	sst s10  }
0x35: {  	s10 =	sld [smem:$0x3FAF];
	_ =	sdelay $0x3  }
0x36: {  	p1 =	seq.s32 s10, $0x1;
	s10 =	sld [smem:$0x3FB0];
	_ =	sdelay $0x3  }
0x37: {  	[smem:$0x3FB0] =	sst s10  }
0x38: {  	s10 =	sld [smem:$0x3FB1]  }
0x39: {  	_ = 	snop;
	(pc) =	sbr.ind lr, $3  }
0x3a: {  	_ = 	snop  }
0x3b: {  	_ = 	snop  }
0x3c: {  	p2 =	seq.s32 s10, $0x1;
	s10 =	sld [smem:$0x3FB0]  }
0x3d: {  	_ =	shalt  }
0x3e: {  	_ =	shalt  }
0x3f: {  	_ =	shalt  }
0x40: {  	_ =	shalt  }
0x41: {  	_ =	shalt  }
0x42: {  	_ =	shalt  }
0x43: {  	_ =	shalt  }
0x44: {  	_ =	shalt  }
0x45: {  	_ =	shalt  }
0x46: {  	_ =	shalt  }
0x47: {  	_ =	shalt  }
0x48: {  	_ =	shalt  }
0x49: {  	_ =	shalt  }
0x4a: {  	_ =	shalt  }
0x4b: {  	_ =	shalt  }
0x4c: {  	_ =	shalt  }
0x4d: {  	_ =	shalt  }
0x4e: {  	_ =	shalt  }
0x4f: {  	_ =	shalt  }
0x50: {  	_ =	shalt  }
0x51: {  	_ =	shalt  }
0x52: {  	_ =	shalt  }
0x53: {  	_ =	shalt  }
0x54: {  	_ =	shalt  }
0x55: {  	_ =	shalt  }
0x56: {  	_ =	shalt  }
0x57: {  	_ =	shalt  }
0x58: {  	_ =	shalt  }
0x59: {  	_ =	shalt  }
0x5a: {  	_ =	shalt  }
0x5b: {  	_ =	shalt  }
0x5c: {  	_ =	shalt  }
0x5d: {  	_ =	shalt  }
0x5e: {  	_ =	shalt  }
0x5f: {  	_ =	shalt  }
0x60: {  	_ =	shalt  }
0x61: {  	_ =	shalt  }
0x62: {  	_ =	shalt  }
0x63: {  	_ =	shalt  }
0x64: {  	_ =	shalt  }
0x65: {  	_ =	shalt  }
0x66: {  	_ =	shalt  }
0x67: {  	_ =	shalt  }
0x68: {  	_ =	shalt  }
0x69: {  	_ =	shalt  }
0x6a: {  	_ =	shalt  }
0x6b: {  	_ =	shalt  }
0x6c: {  	_ =	shalt  }
0x6d: {  	_ =	shalt  }
0x6e: {  	_ =	shalt  }
0x6f: {  	_ =	shalt  }
0x70: {  	_ =	shalt  }
0x71: {  	_ =	shalt  }
0x72: {  	_ =	shalt  }
0x73: {  	_ =	shalt  }
0x74: {  	_ =	shalt  }
0x75: {  	_ =	shalt  }
0x76: {  	_ =	shalt  }
0x77: {  	_ =	shalt  }
0x78: {  	_ =	shalt  }
0x79: {  	_ =	shalt  }
0x7a: {  	_ =	shalt  }
0x7b: {  	_ =	shalt  }
0x7c: {  	_ =	shalt  }
0x7d: {  	_ =	shalt  }
0x7e: {  	_ =	shalt  }
0x7f: {  	_ =	shalt  }
0x80: {  	_ =	shalt  }
0x81: {  	_ =	shalt  }
0x82: {  	_ =	shalt  }
0x83: {  	_ =	shalt  }
0x84: {  	_ =	shalt  }
0x85: {  	_ =	shalt  }
0x86: {  	_ =	shalt  }
0x87: {  	_ =	shalt  }
.Lfunc_end0:
.L_simem_size_0:
called_computation.3_lowered:
.L_overlay_start_0:
0x88: {  	s2 =	sld [smem:$0x3FD9]  }
0x89: {  	s3 =	sld [smem:$0x3FFE];
	_ =	sdelay $0x1  }
0x8a: {  	s1 =	srdreg.scid  }
0x8b: {  	s0 =	sand.u32 $0x1, s1  }
0x8c: {  	s16 =	sshll.u32 s0, $0xA;
	s2 =	sadd.s32 s3, s2  }
0x8d: {  	s2 =	sadd.s32 s2, s16  }
0x8e: {  	[smem:$0x3FBC] =	sst s2  }
0x8f: {  	_ = 	snop  }
0x90: {  	(tm) =	ssettm $0x1  }
0x91: {  	s17 =	sld [smem:$0x3FFB];
	_ =	sdelay $0x3  }
0x92: {  	_ =	strace s17  }
0x93: {  	s2 =	sld [smem:$0x3FFC];
	_ =	sdelay $0x3  }
0x94: {  	_ =	strace s2  }
0x95: {  	s2 =	sld [smem:$0x3FFD];
	_ =	sdelay $0x3  }
0x96: {  	_ =	strace s2  }
0x97: {  	_ =	strace $0x8FFFFFFF  }
0x98: {  	s18 =	sld [smem:$0x3FDB];
	_ =	sdelay $0x1  }
0x99: {  	s19 =	simm.s32 $_scs_section_size  }
0x9a: {  	s4 =	simm.s32 $_size__tile_overlayer_lowered;
	s5 =	simm.s32 $_tile_overlayer_lowered  }
0x9b: {  	s22 =	simm.s32 $0x1BFF;
	s21 =	sshll.u32 s5, $0x1;
	s2 =	sadd.s32 s19, s18  }
0x9c: {  	s6 =	simm.s32 $0x0;
	s20 =	sshll.u32 s4, $0x1;
	s4 =	sadd.s32 s21, s2  }
0x9d: {  	[timem:s6], [sflag:s22] =	dma.local [hbm:s4], s20  }
0x9e: {  	_ =	swait.ge [sflag:s22], s20  }
0x9f: {  	s3 =	ssub.s32 $0x0, s20;
	[sflag:s22] =	ssyncset.done $0x0  }
0xa0: {  	[sflag:s22] =	ssyncadd.s32 s3;
	_ =	sdelay $0x1  }
0xa1: {  	s23 =	simm.s32 $0x1B8B  }
0xa2: {  	_ =	swait.ge [sflag:s23], $0x1  }
0xa3: {  	[sflag:s23] =	ssyncset.done $0x0  }
0xa4: {  	s25 =	simm.s32 $0x1B8E;
	s24 =	sld [smem:$0x3FFE];
	[sflag:s23] =	ssyncadd.s32 $0xFFFFFFFF  }
0xa5: {  	s26 =	simm.s32 $execute0_lowered;
	[smem:$0x3FD2] =	sst s25  }
0xa6: {  	s4 =	sshll.u32 s26, $0x1;
	_ =	strace $0x8000004F;
	[dreg:$0x1] =	wrdreg $0xFFFFFFFF  }
0xa7: {  	s28 =	simm.s32 $_size_execute0_lowered;
	s2 =	sadd.s32 s2, s4;
	[dreg:$0x0] =	wrdreg $0x0  }
0xa8: {  	s4 =	sshll.u32 s28, $0x1;
	[dreg:$0x2] =	wrdreg s2  }
0xa9: {  	[dreg:$0x3] =	wrdreg s4  }
0xaa: {  	[dreg:$0x4] =	wrdreg $0xC0  }
0xab: {  	_ =	task [dreg:s6], $0x5FFFF  }
0xac: {  	[dreg:$0x1] =	wrdreg $0xFFFFFFFF  }
0xad: {  	[dreg:$0x0] =	wrdreg $0x60  }
0xae: {  	[dreg:$0x2] =	wrdreg s24  }
0xaf: {  	[dreg:$0x3] =	wrdreg $0x40800  }
0xb0: {  	[dreg:$0x4] =	wrdreg $0x9  }
0xb1: {  	_ =	task.clear_ibuf [dreg:s6], $0x5FFFF;
	_ =	strace $0x9000004F  }
0xb2: {  	s29 =	simm.s32 $0x9;
	_ =	strace $0x80000051  }
0xb3: {  	_ =	swait.ge [sflag:s29], $0x1  }
0xb4: {  	[sflag:s29] =	ssyncadd.s32 $0xFFFFFFFF  }
0xb5: {  	_ =	strace $0x90000051  }
0xb6: {  	_ =	sfence  }
0xb7: {  	s30 =	sld [smem:$0x0];
	_ =	sdelay $0x2  }
0xb8: {  	s31 =	sshll.u32 s1, $0xD;
	s1 =	sshrl.u32 s1, $0x2  }
0xb9: {  	s3 =	sand.u32 $0x4000, s31;
	s1 =	sadd.s32 s1, s30  }
0xba: {  	s0 =	sor.u32 s3, s0;
	s1 =	sshll.u32 s1, $0x11  }
0xbb: {  	s0 =	sor.u32 s1, s0  }
0xbc: {  	s0 =	sadd.s32 $0x8F2B, s0  }
0xbd: {  	[sflag:s0] =	ssyncadd.remote.s32 $0x1  }
0xbe: {  	_ =	sfence.sel $0xFFFF  }
0xbf: {  	[dreg:$0x0] =	wrdreg $0xFFFFFFFF;
	(pc) =	sbr.abs _section_cstart, $3  }
0xc0: {  	[dreg:$0x1] =	wrdreg $0xFFFFFFFF  }
0xc1: {  	_ =	task.clear_ibuf [dreg:s6], $0x2FFFF;
	_ =	strace $0x9FFFFFFF  }
0xc2: {  	(tm) =	ssettm $0x7FFFFFFF  }
0xc3: {  	_ =	shalt  }
tec
execute0_lowered:
.L_overlay_start_1:
0x0: {  	(tag) =	ssettag $0x1  }
0x1: {  	s0 =	stileid.u32  }
0x2: {  	s1 =	srdreg.scid;
	s6 =	smul.u32 $0x5100, s0  }
0x3: {  	s4 =	rddreg [dreg:$0x0];
	s8 =	smul.u32 $0x51000, s0  }
0x4: {  	s2 =	rddreg [dreg:$0x1];
	s3 =	simm.s32 $0x0;
	s26 =	smul.u32 $0x2800, s0  }
0x5: {  	s5 =	sand.u32 $0x1, s1;
	s1 =	rddreg [dreg:$0x2];
	s12 =	smul.u32 $0x50000, s0  }
0x6: {  	[smem:$0x7FF] =	sst s3;
	s7 =	smul.u32 $0x2880, s5  }
0x7: {  	s30 =	sshll.u32 s0, $0x6;
	_ =	strace $0x80000050;
	s9 =	smul.u32 $0x28000, s5  }
0x8: {  	s28 =	ssub.s32 $0x2, s5;
	s31 =	smul.u32 $0x28800, s5;
	s5 =	sor.u32 $0x1C01, s30  }
0x9: {  	s8 =	sadd.s32 s8, s4;
	s11 =	sshrl.u32 s28, $0x1;
	s29 =	sshrl.u32 s12, $0x2  }
0xa: {  	s12 =	simm.s32 $0x80;
	s6 =	sadd.s32 s7, s6;
	s9 =	sadd.s32 s26, s9  }
0xb: {  	s7 =	sadd.s32 s26, s4;
	s11 =	ssub.s32 s28, s11;
	s13 =	sadd.s32 s29, s2  }
0xc: {  	s8 =	sadd.s32 s31, s8;
	s6 =	sshrl.u32 s6, $0x3;
	s9 =	sadd.s32 s9, s4  }
0xd: {  	s8 =	sadd.s32 $0xA8C400, s8;
	s10 =	sadd.s32 s6, s4;
	s4 =	sadd.s32 $0x4F0000, s7  }
0xe: {  	s6 =	sadd.s32 $0x518000, s9;
	s7 =	smax.u32 s11, $0x1;
	s11 =	simm.s32 $0x1  }
0xf: {  	s9 =	sadd.s32 $0xA82200, s10;
	s10 =	sshrl.u32 s13, $0x3;
	s13 =	simm.s32 $0x0  }
.LBB2_1:
0x10: {  	[spmem:s10], [sflag:s5] =	dma.local [hbm:s4], $0x2800  }
0x11: {  	_ =	swait.ge [sflag:s11], $0x2800  }
0x12: {  	[sflag:s11] =	ssyncset.done $0x0  }
0x13: {  	[sflag:s11] =	ssyncadd.s32 $0xFFFFD800  }
0x14: {  	s14 =	sadd.s32 $0x0, s9;
	[bflag:$0x0] =	sbarrier.arrive $0xFFFF  }
0x15: {  	[tilespmem:s3], [sflag:$0x1] =	stream.linear.gather [hbm4b:s14+s3], $0x80, $0x38;
	[tilespmem:$0x18080] =	vst v63  }
0x16: {  	_ =	swait.ge [sflag:s11], $0x80  }
0x17: {  	[sflag:s11] =	ssyncset.done $0x0  }
0x18: {  	[sflag:s11] =	ssyncadd.s32 $0xFFFFFF80  }
0x19: {  	[tilespmem:s12], [sflag:$0x1] =	stream.linear.gather [hbm4b:s8+s3], $0x4000, $0x38;
	[tilespmem:$0x18080] =	vst v63  }
0x1a: {  	_ =	swait.ge [sflag:s11], $0x4000  }
0x1b: {  	[sflag:s11] =	ssyncset.done $0x0  }
0x1c: {  	[sflag:s11] =	ssyncadd.s32 $0xFFFFC000  }
0x1d: {  	[spmem:s2] =	stream.indirect.scatter.add.f32 [tilespmem:s12], [sflag:$0x1], $0x80, s3, s12, $0xb8;
	[tilespmem:$0x18080] =	vst v63  }
0x1e: {  	s15 =	simm.s32 $0x10;
	_ =	swait.ge [sflag:s11], $0x4000  }
0x1f: {  	s16 =	simm.s32 $0x20;
	s14 =	sadd.s32 $0x800, s8;
	[sflag:s11] =	ssyncset.done $0x0  }
.LBB2_2:
0x20: {  	s17 =	sadd.s32 s15, s9  }
0x21: {  	[sflag:s11] =	ssyncadd.s32 $0xFFFFC000;
	s15 =	smov.u32 s16;
	s18 =	sadd.s32 $0x10, s16  }
0x22: {  	[tilespmem:s3], [sflag:$0x1] =	stream.linear.gather [hbm4b:s17+s3], $0x80, $0x38;
	[tilespmem:$0x18080] =	vst v63  }
0x23: {  	p0 =	sne.s32 s16, $0x500;
	_ =	swait.ge [sflag:s11], $0x80  }
0x24: {  	[sflag:s11] =	ssyncset.done $0x0  }
0x25: {  	[sflag:s11] =	ssyncadd.s32 $0xFFFFFF80  }
0x26: {  	[tilespmem:s12], [sflag:$0x1] =	stream.linear.gather [hbm4b:s14+s3], $0x4000, $0x38;
	[tilespmem:$0x18080] =	vst v63  }
0x27: {  	_ =	swait.ge [sflag:s11], $0x4000  }
.Ltmp0:
0x28: {  	[sflag:s11] =	ssyncset.done $0x0;
	(pc) =	sbr.rel @p0 .LBB2_2-.Ltmp0, $4  }
0x29: {  	[sflag:s11] =	ssyncadd.s32 $0xFFFFC000  }
0x2a: {  	[spmem:s2] =	stream.indirect.scatter.add.f32 [tilespmem:s12], [sflag:$0x1], $0x80, s3, s12, $0xb8;
	[tilespmem:$0x18080] =	vst v63  }
0x2b: {  	_ =	swait.ge [sflag:s11], $0x4000  }
0x2c: {  	s16 =	smov.u32 s18;
	s14 =	sadd.s32 $0x800, s14;
	[sflag:s11] =	ssyncset.done $0x0  }
0x2d: {  	s15 =	sadd.s32 s15, s9;
	[sflag:s11] =	ssyncadd.s32 $0xFFFFC000  }
0x2e: {  	[tilespmem:s3], [sflag:$0x1] =	stream.linear.gather [hbm4b:s15+s3], $0x80, $0x38;
	[tilespmem:$0x18080] =	vst v63  }
0x2f: {  	_ =	swait.ge [sflag:s11], $0x80  }
0x30: {  	[sflag:s11] =	ssyncset.done $0x0  }
0x31: {  	[sflag:s11] =	ssyncadd.s32 $0xFFFFFF80  }
0x32: {  	[tilespmem:s12], [sflag:$0x1] =	stream.linear.gather [hbm4b:s14+s3], $0x4000, $0x38;
	[tilespmem:$0x18080] =	vst v63  }
0x33: {  	_ =	swait.ge [sflag:s11], $0x4000  }
0x34: {  	[sflag:s11] =	ssyncset.done $0x0  }
0x35: {  	[sflag:s11] =	ssyncadd.s32 $0xFFFFC000  }
0x36: {  	[spmem:s2] =	stream.indirect.scatter.add.f32 [tilespmem:s12], [sflag:$0x1], $0x80, s3, s12, $0xb8;
	[tilespmem:$0x18080] =	vst v63  }
0x37: {  	_ =	swait.ge [sflag:s11], $0x4000  }
0x38: {  	s13 =	sadd.s32 $0x1, s13;
	[sflag:s11] =	ssyncset.done $0x0  }
0x39: {  	p0 =	sne.s32 s13, s7;
	[sflag:s11] =	ssyncadd.s32 $0xFFFFC000  }
.Ltmp1:
0x3a: {  	[bflag:$0x0] =	sbarrier.arrive $0xFFFF;
	(pc) =	sbr.rel @p0 .LBB2_1-.Ltmp1, $4  }
0x3b: {  	[hbm:s6], [sflag:s5] =	dma.local [spmem:s10], $0x2800  }
0x3c: {  	_ =	swait.ge [sflag:s11], $0x2800  }
0x3d: {  	[sflag:s11] =	ssyncset.done $0x0  }
0x3e: {  	[sflag:s11] =	ssyncadd.s32 $0xFFFFD800  }
0x3f: {  	_ =	sfence.sel $0x180000  }
0x40: {  	[bflag:$0x0] =	sbarrier.arrive $0xFFFF  }
0x41: {  	p0 =	sne.s32 s0, $0x0;
	_ =	strace $0x90000050  }
0x42: {  	s0 =	sadd.s32 @!p0 $0x100000, s1;
	[bflag:$0x2] =	sbarrier.arrive $0xFFFF  }
0x43: {  	[sflag:s0] =	ssyncadd.tile.s32 @!p0 $0x1;
	_ =	shalt  }
.Lfunc_end2:
_tile_overlayer_lowered:
.L_overlay_start_2:
0x44: {  	(tag) =	ssettag $0x2  }
0x45: {  	s0 =	rddreg [dreg:$0x0];
	s2 =	stileid.u32  }
0x46: {  	s1 =	rddreg [dreg:$0x1];
	p0 =	sne.s32 s2, $0x0  }
0x47: {  	s3 =	rddreg [dreg:$0x2];
	[bflag:$0x3] =	sbarrier.arrive $0xFFFF;
	s2 =	simm.s32 @!p0 $0x1C01  }
0x48: {  	[timem:s3], [sflag:s2] =	dma.local @!p0 [hbm:s0], s1  }
0x49: {  	s0 =	simm.s32 @!p0 $0x1  }
0x4a: {  	_ =	swait.ge @!p0 [sflag:s0], s1  }
0x4b: {  	s1 =	ssub.s32 @!p0 $0x0, s1;
	[sflag:s0] =	ssyncset.done @!p0 $0x0  }
0x4c: {  	[sflag:s0] =	ssyncadd.s32 @!p0 s1  }
0x4d: {  	[bflag:$0x3] =	sbarrier.arrive $0xFFFF  }
0x4e: {  	_ =	shalt  }

// kernel: kernel.25.cloned.1.call-start
scs
__scs_entry_jumppad:
0x0: {  	(pc) =	sbr.rel $0x88, $3  }
0x1: {  	(tag) =	ssettag $0x0;
	lr =	simm.s32 $0x1  }
0x2: {  	[smem:$0x3F95] =	sst lr;
	_ =	strace $0xD0000000  }
0x3: {  	_ = 	snop  }
0x4: {  	_ = 	snop  }
0x5: {  	_ = 	snop  }
0x6: {  	_ = 	snop  }
0x7: {  	_ = 	snop  }
__scs_overlays_trampoline_lowered:
0x8: {  	[smem:$0x3FA4] =	sst s0  }
0x9: {  	[smem:$0x3FA5] =	sst s1  }
0xa: {  	[smem:$0x3FA6] =	sst s2  }
0xb: {  	[smem:$0x3FA7] =	sst s3  }
0xc: {  	[smem:$0x3FA8] =	sst s4  }
0xd: {  	[smem:$0x3FA9] =	sst s5  }
0xe: {  	[smem:$0x3FAA] =	sst s6  }
0xf: {  	[smem:$0x3FAB] =	sst s7  }
0x10: {  	[smem:$0x3FAC] =	sst s8  }
0x11: {  	[smem:$0x3FAD] =	sst s9;
	s0 =	simm.s32 @!p0 $0x0  }
0x12: {  	s1 =	sld [smem:$0x3F93];
	s0 =	simm.s32 @p0 $0x1  }
0x13: {  	[smem:$0x3FAE] =	sst s0;
	s0 =	simm.s32 @!p1 $0x0  }
0x14: {  	s2 =	sld [smem:$0x3F92];
	s0 =	simm.s32 @p1 $0x1  }
0x15: {  	[smem:$0x3FAF] =	sst s0;
	s0 =	simm.s32 @!p2 $0x0  }
0x16: {  	s3 =	sld [smem:$0x3FDB];
	s0 =	simm.s32 @p2 $0x1  }
0x17: {  	s4 =	simm.s32 $0x1BF5;
	[smem:$0x3FB1] =	sst s0  }
0x18: {  	s0 =	sld [smem:$0x3F94];
	_ =	swait.ge [sflag:s4], $0x0  }
0x19: {  	s7 =	sld [smem:$0x3F95]  }
0x1a: {  	s8 =	sadd.s32 $0xFFFFE003, lr  }
0x1b: {  	s9 =	sadd.s32 $0xFFFFFEF7, lr;
	s5 =	simm.s32 $0xFFFFFFFF;
	p2 =	slt.u32 s8, $0xFFFFF086  }
0x1c: {  	p1 =	slt.u32 s9, $0xF7A;
	s5 =	simm.s32 @!p2 $0x0  }
0x1d: {  	s5 =	simm.s32 @p1 $0x1;
	p0 =	seq.s32 s7, s2  }
0x1e: {  	s7 =	smul.u32 @!p0 $0xF7A, s2;
	p2 =	seq.s32 @!p0 s5, $0x0  }
0x1f: {  	s9 =	smul.u32 $0xF7A, s1;
	s8 =	simm.s32 @!p0 $0x1BF5;
	p2 =	por !p2, p0  }
0x20: {  	[sflag:s8] =	ssyncset.s32 @!p0 $0xFFFFF086;
	s6 =	sadd.s32 @!p0 s3, s7;
	s7 =	simm.s32 @!p0 $0x108  }
0x21: {  	s3 =	sadd.s32 s3, s9;
	s6 =	sadd.s32 @!p0 $0x88, s6;
	s7 =	simm.s32 @p2 $0x1082  }
0x22: {  	[simem:s7], [sflag:s8] =	dma.local @!p0 [hbm:s6], $0xF7A  }
0x23: {  	s9 =	sor.u32 $0xD0000000, s2;
	s6 =	simm.s32 $0x108;
	_ =	swait.ge @!p0 [sflag:s8], $0x0  }
0x24: {  	s3 =	sadd.s32 $0x88, s3;
	s6 =	simm.s32 @!p1 $0x1082;
	[sflag:s4] =	ssyncset.s32 $0xFFFFF086  }
0x25: {  	[simem:s6], [sflag:s4] =	dma.local [hbm:s3], $0xF7A  }
0x26: {  	[smem:$0x3F95] =	sst s1;
	(tag) =	ssettag s2;
	_ =	strace s9  }
0x27: {  	s1 =	sld [smem:$0x3FA5]  }
0x28: {  	s2 =	sld [smem:$0x3FA6]  }
0x29: {  	s4 =	sld [smem:$0x3FA8]  }
0x2a: {  	p0 =	seq.s32 s5, $0x0;
	s5 =	sld [smem:$0x3FA9]  }
0x2b: {  	s6 =	sld [smem:$0x3FAA]  }
0x2c: {  	s7 =	sld [smem:$0x3FAB]  }
0x2d: {  	s3 =	simm.s32 $0x108;
	s8 =	sld [smem:$0x3FAC]  }
0x2e: {  	s3 =	simm.s32 @!p0 $0x1082;
	s9 =	sld [smem:$0x3FAD]  }
0x2f: {  	lr =	sadd.s32 s0, s3;
	s0 =	sld [smem:$0x3FA4]  }
0x30: {  	s3 =	sld [smem:$0x3FA7]  }
0x31: {  	[smem:$0x3FB0] =	sst s10  }
0x32: {  	s10 =	sld [smem:$0x3FAE];
	_ =	sdelay $0x3  }
0x33: {  	p0 =	seq.s32 s10, $0x1;
	s10 =	sld [smem:$0x3FB0];
	_ =	sdelay $0x3  }
0x34: {  	[smem:$0x3FB0] =	sst s10  }
0x35: {  	s10 =	sld [smem:$0x3FAF];
	_ =	sdelay $0x3  }
0x36: {  	p1 =	seq.s32 s10, $0x1;
	s10 =	sld [smem:$0x3FB0];
	_ =	sdelay $0x3  }
0x37: {  	[smem:$0x3FB0] =	sst s10  }
0x38: {  	s10 =	sld [smem:$0x3FB1]  }
0x39: {  	_ = 	snop;
	(pc) =	sbr.ind lr, $3  }
0x3a: {  	_ = 	snop  }
0x3b: {  	_ = 	snop  }
0x3c: {  	p2 =	seq.s32 s10, $0x1;
	s10 =	sld [smem:$0x3FB0]  }
0x3d: {  	_ =	shalt  }
0x3e: {  	_ =	shalt  }
0x3f: {  	_ =	shalt  }
0x40: {  	_ =	shalt  }
0x41: {  	_ =	shalt  }
0x42: {  	_ =	shalt  }
0x43: {  	_ =	shalt  }
0x44: {  	_ =	shalt  }
0x45: {  	_ =	shalt  }
0x46: {  	_ =	shalt  }
0x47: {  	_ =	shalt  }
0x48: {  	_ =	shalt  }
0x49: {  	_ =	shalt  }
0x4a: {  	_ =	shalt  }
0x4b: {  	_ =	shalt  }
0x4c: {  	_ =	shalt  }
0x4d: {  	_ =	shalt  }
0x4e: {  	_ =	shalt  }
0x4f: {  	_ =	shalt  }
0x50: {  	_ =	shalt  }
0x51: {  	_ =	shalt  }
0x52: {  	_ =	shalt  }
0x53: {  	_ =	shalt  }
0x54: {  	_ =	shalt  }
0x55: {  	_ =	shalt  }
0x56: {  	_ =	shalt  }
0x57: {  	_ =	shalt  }
0x58: {  	_ =	shalt  }
0x59: {  	_ =	shalt  }
0x5a: {  	_ =	shalt  }
0x5b: {  	_ =	shalt  }
0x5c: {  	_ =	shalt  }
0x5d: {  	_ =	shalt  }
0x5e: {  	_ =	shalt  }
0x5f: {  	_ =	shalt  }
0x60: {  	_ =	shalt  }
0x61: {  	_ =	shalt  }
0x62: {  	_ =	shalt  }
0x63: {  	_ =	shalt  }
0x64: {  	_ =	shalt  }
0x65: {  	_ =	shalt  }
0x66: {  	_ =	shalt  }
0x67: {  	_ =	shalt  }
0x68: {  	_ =	shalt  }
0x69: {  	_ =	shalt  }
0x6a: {  	_ =	shalt  }
0x6b: {  	_ =	shalt  }
0x6c: {  	_ =	shalt  }
0x6d: {  	_ =	shalt  }
0x6e: {  	_ =	shalt  }
0x6f: {  	_ =	shalt  }
0x70: {  	_ =	shalt  }
0x71: {  	_ =	shalt  }
0x72: {  	_ =	shalt  }
0x73: {  	_ =	shalt  }
0x74: {  	_ =	shalt  }
0x75: {  	_ =	shalt  }
0x76: {  	_ =	shalt  }
0x77: {  	_ =	shalt  }
0x78: {  	_ =	shalt  }
0x79: {  	_ =	shalt  }
0x7a: {  	_ =	shalt  }
0x7b: {  	_ =	shalt  }
0x7c: {  	_ =	shalt  }
0x7d: {  	_ =	shalt  }
0x7e: {  	_ =	shalt  }
0x7f: {  	_ =	shalt  }
0x80: {  	_ =	shalt  }
0x81: {  	_ =	shalt  }
0x82: {  	_ =	shalt  }
0x83: {  	_ =	shalt  }
0x84: {  	_ =	shalt  }
0x85: {  	_ =	shalt  }
0x86: {  	_ =	shalt  }
0x87: {  	_ =	shalt  }
.Lfunc_end0:
.L_simem_size_0:
called_computation.4_lowered:
.L_overlay_start_0:
0x88: {  	s2 =	sld [smem:$0x3FD9]  }
0x89: {  	s3 =	sld [smem:$0x3FFE];
	_ =	sdelay $0x1  }
0x8a: {  	s1 =	srdreg.scid  }
0x8b: {  	s0 =	sand.u32 $0x1, s1  }
0x8c: {  	s14 =	sshll.u32 s0, $0xA;
	s2 =	sadd.s32 s3, s2  }
0x8d: {  	s2 =	sadd.s32 s2, s14  }
0x8e: {  	[smem:$0x3FBC] =	sst s2  }
0x8f: {  	_ = 	snop  }
0x90: {  	s2 =	sld [smem:$0x3FD0];
	_ =	sdelay $0x2  }
0x91: {  	s15 =	simm.s32 $0xB;
	s4 =	simm.s32 $0x10  }
0x92: {  	[smem:s4], [sflag:s15] =	dma.local [hbm:s2], $0x1  }
0x93: {  	_ =	swait.eq [sflag:s15], $0x1  }
0x94: {  	[sflag:s15] =	ssyncset.done $0x0  }
0x95: {  	[sflag:s15] =	ssyncadd.s32 $0xFFFFFFFF  }
0x96: {  	s16 =	sld [smem:$0x11];
	(tm) =	ssettm $0x1  }
0x97: {  	s17 =	sld [smem:$0x3FFB];
	_ =	sdelay $0x3  }
0x98: {  	_ =	strace s17  }
0x99: {  	s3 =	sld [smem:$0x3FFC];
	_ =	sdelay $0x3  }
0x9a: {  	_ =	strace s3  }
0x9b: {  	s3 =	sld [smem:$0x3FFD];
	_ =	sdelay $0x3  }
0x9c: {  	_ =	strace s3  }
0x9d: {  	_ =	strace $0x8FFFFFFF  }
0x9e: {  	s18 =	sld [smem:$0x3FDB];
	_ =	sdelay $0x1  }
0x9f: {  	s19 =	simm.s32 $_scs_section_size  }
0xa0: {  	s5 =	simm.s32 $_size__tile_overlayer_lowered;
	s6 =	simm.s32 $_tile_overlayer_lowered  }
0xa1: {  	s22 =	simm.s32 $0x1BFF;
	s21 =	sshll.u32 s6, $0x1;
	s3 =	sadd.s32 s19, s18  }
0xa2: {  	s7 =	simm.s32 $0x0;
	s20 =	sshll.u32 s5, $0x1;
	s5 =	sadd.s32 s21, s3  }
0xa3: {  	[timem:s7], [sflag:s22] =	dma.local [hbm:s5], s20  }
0xa4: {  	_ =	swait.ge [sflag:s22], s20  }
0xa5: {  	s4 =	ssub.s32 $0x0, s20;
	[sflag:s22] =	ssyncset.done $0x0  }
0xa6: {  	[sflag:s22] =	ssyncadd.s32 s4;
	_ =	sdelay $0x1  }
0xa7: {  	s23 =	simm.s32 $0x1B8B  }
0xa8: {  	_ =	swait.ge [sflag:s23], $0x1  }
0xa9: {  	[sflag:s23] =	ssyncset.done $0x0  }
0xaa: {  	s25 =	simm.s32 $0x1B8E;
	s24 =	sld [smem:$0x3FFE];
	[sflag:s23] =	ssyncadd.s32 $0xFFFFFFFF  }
0xab: {  	s26 =	simm.s32 $execute0_lowered;
	[smem:$0x3FD2] =	sst s25  }
0xac: {  	s5 =	sshll.u32 s26, $0x1;
	_ =	strace $0x80000052;
	[dreg:$0x1] =	wrdreg $0xFFFFFFFF  }
0xad: {  	s28 =	simm.s32 $_size_execute0_lowered;
	s3 =	sadd.s32 s3, s5;
	[dreg:$0x0] =	wrdreg $0x0  }
0xae: {  	s5 =	sshll.u32 s28, $0x1;
	[dreg:$0x2] =	wrdreg s3  }
0xaf: {  	[dreg:$0x3] =	wrdreg s5  }
0xb0: {  	[dreg:$0x4] =	wrdreg $0xC0  }
0xb1: {  	_ =	task [dreg:s7], $0x5FFFF  }
0xb2: {  	[dreg:$0x1] =	wrdreg $0xFFFFFFFF  }
0xb3: {  	[dreg:$0x0] =	wrdreg $0x60  }
0xb4: {  	[dreg:$0x2] =	wrdreg s16  }
0xb5: {  	[dreg:$0x3] =	wrdreg s24  }
0xb6: {  	[dreg:$0x4] =	wrdreg $0x9  }
0xb7: {  	_ =	task.clear_ibuf [dreg:s7], $0x5FFFF;
	_ =	strace $0x90000052  }
0xb8: {  	s29 =	simm.s32 $0x9;
	_ =	strace $0x80000054  }
0xb9: {  	_ =	swait.ge [sflag:s29], $0x1  }
0xba: {  	[sflag:s29] =	ssyncadd.s32 $0xFFFFFFFF  }
0xbb: {  	_ =	strace $0x90000054  }
0xbc: {  	_ =	sfence  }
0xbd: {  	s30 =	sld [smem:$0x0];
	_ =	sdelay $0x2  }
0xbe: {  	s31 =	sshll.u32 s1, $0xD;
	s1 =	sshrl.u32 s1, $0x2  }
0xbf: {  	s3 =	sand.u32 $0x4000, s31;
	s1 =	sadd.s32 s1, s30  }
0xc0: {  	s0 =	sor.u32 s3, s0;
	s1 =	sshll.u32 s1, $0x11  }
0xc1: {  	s0 =	sor.u32 s1, s0  }
0xc2: {  	s0 =	sadd.s32 $0x8F2B, s0  }
0xc3: {  	[sflag:s0] =	ssyncadd.remote.s32 $0x1  }
0xc4: {  	_ =	sfence.sel $0xFFFF  }
0xc5: {  	[dreg:$0x0] =	wrdreg $0xFFFFFFFF;
	(pc) =	sbr.abs _section_cstart, $3  }
0xc6: {  	[dreg:$0x1] =	wrdreg $0xFFFFFFFF  }
0xc7: {  	_ =	task.clear_ibuf [dreg:s7], $0x2FFFF;
	_ =	strace $0x9FFFFFFF  }
0xc8: {  	(tm) =	ssettm $0x7FFFFFFF  }
0xc9: {  	_ =	shalt  }
tec
execute0_lowered:
.L_overlay_start_1:
0x0: {  	(tag) =	ssettag $0x1  }
0x1: {  	s2 =	rddreg [dreg:$0x0]  }
0x2: {  	s4 =	rddreg [dreg:$0x1]  }
0x3: {  	s0 =	rddreg [dreg:$0x2]  }
0x4: {  	s3 =	srdreg.scid;
	s1 =	stileid.u32  }
0x5: {  	s9 =	simm.s32 $0x2880;
	s10 =	simm.s32 $0x1;
	s11 =	simm.s32 $0x0  }
0x6: {  	s5 =	sand.u32 $0x1, s3;
	s6 =	sshll.u32 s1, $0x1;
	s7 =	smul.u32 $0x288000, s1  }
0x7: {  	s3 =	simm.s32 $0x0;
	s6 =	sor.u32 s5, s6;
	s8 =	smul.u32 $0x144000, s5  }
0x8: {  	[smem:$0x7FF] =	sst s3;
	s5 =	ssub.s32 $0x2, s5;
	s6 =	smul.u32 $0x510, s6  }
0x9: {  	_ =	strace $0x80000053;
	s31 =	sshrl.u32 s5, $0x1;
	s7 =	sadd.s32 s8, s7  }
0xa: {  	s5 =	ssub.s32 s5, s31;
	s8 =	simm.s32 $0x80;
	s7 =	sshrl.u32 s7, $0x3  }
0xb: {  	s6 =	sadd.s32 s6, s4;
	s5 =	smax.u32 s5, $0x1;
	s7 =	sadd.s32 s7, s4  }
0xc: {  	s4 =	sadd.s32 $0xA82200, s6;
	s6 =	sadd.s32 $0xF9C400, s7;
	s7 =	simm.s32 $0x2  }
.LBB2_1:
0xd: {  	[tilespmem:s3], [sflag:$0x2] =	stream.linear.gather [hbm4b:s4+s3], $0x2880, $0x38;
	[tilespmem:$0x6880] =	vst v63  }
0xe: {  	_ =	swait.ge [sflag:s7], $0x2880  }
0xf: {  	[sflag:s7] =	ssyncset.done $0x0  }
0x10: {  	s12 =	simm.s32 $0x0;
	[sflag:s7] =	ssyncadd.s32 $0xFFFFD780  }
0x11: {  	[tilespmem:s9], [sflag:$0x1] =	stream.indirect.gather [hbm4b:s2+s8], $0x80, s12, s8, $0xb8;
	[tilespmem:$0x6880] =	vst v63  }
0x12: {  	_ =	swait.ge [sflag:s10], $0x4000  }
0x13: {  	[sflag:s10] =	ssyncset.done $0x0  }
0x14: {  	[sflag:s10] =	ssyncadd.s32 $0xFFFFC000  }
0x15: {  	[hbm4b:s6+s3] =	stream.linear.scatter [tilespmem:s9], [sflag:$0x2], $0x4000, $0x38;
	[tilespmem:$0x6880] =	vst v63  }
0x16: {  	s13 =	simm.s32 $0x200;
	_ =	swait.ge [sflag:s7], $0x4000  }
0x17: {  	s14 =	simm.s32 $0x400;
	s12 =	sadd.s32 $0x800, s6;
	[sflag:s7] =	ssyncset.done $0x0  }
.LBB2_2:
0x18: {  	s15 =	sshra.s32 s13, $0x2  }
0x19: {  	[sflag:s7] =	ssyncadd.s32 $0xFFFFC000;
	s13 =	smov.u32 s14;
	s16 =	sadd.s32 $0x200, s14  }
0x1a: {  	[tilespmem:s9], [sflag:$0x1] =	stream.indirect.gather [hbm4b:s2+s8], $0x80, s15, s8, $0xb8;
	[tilespmem:$0x6880] =	vst v63  }
0x1b: {  	p0 =	sne.s32 s14, $0xA000;
	_ =	swait.ge [sflag:s10], $0x4000  }
.Ltmp0:
0x1c: {  	[sflag:s10] =	ssyncset.done $0x0;
	(pc) =	sbr.rel @p0 .LBB2_2-.Ltmp0, $4  }
0x1d: {  	[sflag:s10] =	ssyncadd.s32 $0xFFFFC000  }
0x1e: {  	[hbm4b:s12+s3] =	stream.linear.scatter [tilespmem:s9], [sflag:$0x2], $0x4000, $0x38;
	[tilespmem:$0x6880] =	vst v63  }
0x1f: {  	_ =	swait.ge [sflag:s7], $0x4000  }
0x20: {  	s14 =	smov.u32 s16;
	s12 =	sadd.s32 $0x800, s12;
	[sflag:s7] =	ssyncset.done $0x0  }
0x21: {  	s13 =	sshra.s32 s13, $0x2;
	[sflag:s7] =	ssyncadd.s32 $0xFFFFC000  }
0x22: {  	[tilespmem:s9], [sflag:$0x1] =	stream.indirect.gather [hbm4b:s2+s8], $0x80, s13, s8, $0xb8;
	[tilespmem:$0x6880] =	vst v63  }
0x23: {  	s11 =	sadd.s32 $0x1, s11;
	_ =	swait.ge [sflag:s10], $0x4000  }
0x24: {  	p0 =	sne.s32 s11, s5;
	[sflag:s10] =	ssyncset.done $0x0  }
.Ltmp1:
0x25: {  	[sflag:s10] =	ssyncadd.s32 $0xFFFFC000;
	(pc) =	sbr.rel @p0 .LBB2_1-.Ltmp1, $4  }
0x26: {  	[hbm4b:s12+s3] =	stream.linear.scatter [tilespmem:s9], [sflag:$0x2], $0x4000, $0x38;
	[tilespmem:$0x6880] =	vst v63  }
0x27: {  	_ =	swait.ge [sflag:s7], $0x4000  }
0x28: {  	[sflag:s7] =	ssyncset.done $0x0  }
0x29: {  	[sflag:s7] =	ssyncadd.s32 $0xFFFFC000  }
0x2a: {  	_ =	sfence.sel $0x180000  }
0x2b: {  	[bflag:$0x0] =	sbarrier.arrive $0xFFFF  }
0x2c: {  	p0 =	sne.s32 s1, $0x0;
	_ =	strace $0x90000053  }
0x2d: {  	s0 =	sadd.s32 @!p0 $0x100000, s0;
	[bflag:$0x2] =	sbarrier.arrive $0xFFFF  }
0x2e: {  	[sflag:s0] =	ssyncadd.tile.s32 @!p0 $0x1;
	_ =	shalt  }
.Lfunc_end2:
_tile_overlayer_lowered:
.L_overlay_start_2:
0x2f: {  	(tag) =	ssettag $0x2  }
0x30: {  	s0 =	rddreg [dreg:$0x0];
	s2 =	stileid.u32  }
0x31: {  	s1 =	rddreg [dreg:$0x1];
	p0 =	sne.s32 s2, $0x0  }
0x32: {  	s3 =	rddreg [dreg:$0x2];
	[bflag:$0x3] =	sbarrier.arrive $0xFFFF;
	s2 =	simm.s32 @!p0 $0x1C02  }
0x33: {  	[timem:s3], [sflag:s2] =	dma.local @!p0 [hbm:s0], s1  }
0x34: {  	s0 =	simm.s32 @!p0 $0x2  }
0x35: {  	_ =	swait.ge @!p0 [sflag:s0], s1  }
0x36: {  	s1 =	ssub.s32 @!p0 $0x0, s1;
	[sflag:s0] =	ssyncset.done @!p0 $0x0  }
0x37: {  	[sflag:s0] =	ssyncadd.s32 @!p0 s1  }
0x38: {  	[bflag:$0x3] =	sbarrier.arrive $0xFFFF  }
0x39: {  	_ =	shalt  }

// kernel: kernel.28.cloned.1.call-start
scs
__scs_entry_jumppad:
0x0: {  	(pc) =	sbr.rel $0x88, $3  }
0x1: {  	(tag) =	ssettag $0x0;
	lr =	simm.s32 $0x1  }
0x2: {  	[smem:$0x3F95] =	sst lr;
	_ =	strace $0xD0000000  }
0x3: {  	_ = 	snop  }
0x4: {  	_ = 	snop  }
0x5: {  	_ = 	snop  }
0x6: {  	_ = 	snop  }
0x7: {  	_ = 	snop  }
__scs_overlays_trampoline_lowered:
0x8: {  	[smem:$0x3FA4] =	sst s0  }
0x9: {  	[smem:$0x3FA5] =	sst s1  }
0xa: {  	[smem:$0x3FA6] =	sst s2  }
0xb: {  	[smem:$0x3FA7] =	sst s3  }
0xc: {  	[smem:$0x3FA8] =	sst s4  }
0xd: {  	[smem:$0x3FA9] =	sst s5  }
0xe: {  	[smem:$0x3FAA] =	sst s6  }
0xf: {  	[smem:$0x3FAB] =	sst s7  }
0x10: {  	[smem:$0x3FAC] =	sst s8  }
0x11: {  	[smem:$0x3FAD] =	sst s9;
	s0 =	simm.s32 @!p0 $0x0  }
0x12: {  	s1 =	sld [smem:$0x3F93];
	s0 =	simm.s32 @p0 $0x1  }
0x13: {  	[smem:$0x3FAE] =	sst s0;
	s0 =	simm.s32 @!p1 $0x0  }
0x14: {  	s2 =	sld [smem:$0x3F92];
	s0 =	simm.s32 @p1 $0x1  }
0x15: {  	[smem:$0x3FAF] =	sst s0;
	s0 =	simm.s32 @!p2 $0x0  }
0x16: {  	s3 =	sld [smem:$0x3FDB];
	s0 =	simm.s32 @p2 $0x1  }
0x17: {  	s4 =	simm.s32 $0x1BF5;
	[smem:$0x3FB1] =	sst s0  }
0x18: {  	s0 =	sld [smem:$0x3F94];
	_ =	swait.ge [sflag:s4], $0x0  }
0x19: {  	s7 =	sld [smem:$0x3F95]  }
0x1a: {  	s8 =	sadd.s32 $0xFFFFE003, lr  }
0x1b: {  	s9 =	sadd.s32 $0xFFFFFEF7, lr;
	s5 =	simm.s32 $0xFFFFFFFF;
	p2 =	slt.u32 s8, $0xFFFFF086  }
0x1c: {  	p1 =	slt.u32 s9, $0xF7A;
	s5 =	simm.s32 @!p2 $0x0  }
0x1d: {  	s5 =	simm.s32 @p1 $0x1;
	p0 =	seq.s32 s7, s2  }
0x1e: {  	s7 =	smul.u32 @!p0 $0xF7A, s2;
	p2 =	seq.s32 @!p0 s5, $0x0  }
0x1f: {  	s9 =	smul.u32 $0xF7A, s1;
	s8 =	simm.s32 @!p0 $0x1BF5;
	p2 =	por !p2, p0  }
0x20: {  	[sflag:s8] =	ssyncset.s32 @!p0 $0xFFFFF086;
	s6 =	sadd.s32 @!p0 s3, s7;
	s7 =	simm.s32 @!p0 $0x108  }
0x21: {  	s3 =	sadd.s32 s3, s9;
	s6 =	sadd.s32 @!p0 $0x88, s6;
	s7 =	simm.s32 @p2 $0x1082  }
0x22: {  	[simem:s7], [sflag:s8] =	dma.local @!p0 [hbm:s6], $0xF7A  }
0x23: {  	s9 =	sor.u32 $0xD0000000, s2;
	s6 =	simm.s32 $0x108;
	_ =	swait.ge @!p0 [sflag:s8], $0x0  }
0x24: {  	s3 =	sadd.s32 $0x88, s3;
	s6 =	simm.s32 @!p1 $0x1082;
	[sflag:s4] =	ssyncset.s32 $0xFFFFF086  }
0x25: {  	[simem:s6], [sflag:s4] =	dma.local [hbm:s3], $0xF7A  }
0x26: {  	[smem:$0x3F95] =	sst s1;
	(tag) =	ssettag s2;
	_ =	strace s9  }
0x27: {  	s1 =	sld [smem:$0x3FA5]  }
0x28: {  	s2 =	sld [smem:$0x3FA6]  }
0x29: {  	s4 =	sld [smem:$0x3FA8]  }
0x2a: {  	p0 =	seq.s32 s5, $0x0;
	s5 =	sld [smem:$0x3FA9]  }
0x2b: {  	s6 =	sld [smem:$0x3FAA]  }
0x2c: {  	s7 =	sld [smem:$0x3FAB]  }
0x2d: {  	s3 =	simm.s32 $0x108;
	s8 =	sld [smem:$0x3FAC]  }
0x2e: {  	s3 =	simm.s32 @!p0 $0x1082;
	s9 =	sld [smem:$0x3FAD]  }
0x2f: {  	lr =	sadd.s32 s0, s3;
	s0 =	sld [smem:$0x3FA4]  }
0x30: {  	s3 =	sld [smem:$0x3FA7]  }
0x31: {  	[smem:$0x3FB0] =	sst s10  }
0x32: {  	s10 =	sld [smem:$0x3FAE];
	_ =	sdelay $0x3  }
0x33: {  	p0 =	seq.s32 s10, $0x1;
	s10 =	sld [smem:$0x3FB0];
	_ =	sdelay $0x3  }
0x34: {  	[smem:$0x3FB0] =	sst s10  }
0x35: {  	s10 =	sld [smem:$0x3FAF];
	_ =	sdelay $0x3  }
0x36: {  	p1 =	seq.s32 s10, $0x1;
	s10 =	sld [smem:$0x3FB0];
	_ =	sdelay $0x3  }
0x37: {  	[smem:$0x3FB0] =	sst s10  }
0x38: {  	s10 =	sld [smem:$0x3FB1]  }
0x39: {  	_ = 	snop;
	(pc) =	sbr.ind lr, $3  }
0x3a: {  	_ = 	snop  }
0x3b: {  	_ = 	snop  }
0x3c: {  	p2 =	seq.s32 s10, $0x1;
	s10 =	sld [smem:$0x3FB0]  }
0x3d: {  	_ =	shalt  }
0x3e: {  	_ =	shalt  }
0x3f: {  	_ =	shalt  }
0x40: {  	_ =	shalt  }
0x41: {  	_ =	shalt  }
0x42: {  	_ =	shalt  }
0x43: {  	_ =	shalt  }
0x44: {  	_ =	shalt  }
0x45: {  	_ =	shalt  }
0x46: {  	_ =	shalt  }
0x47: {  	_ =	shalt  }
0x48: {  	_ =	shalt  }
0x49: {  	_ =	shalt  }
0x4a: {  	_ =	shalt  }
0x4b: {  	_ =	shalt  }
0x4c: {  	_ =	shalt  }
0x4d: {  	_ =	shalt  }
0x4e: {  	_ =	shalt  }
0x4f: {  	_ =	shalt  }
0x50: {  	_ =	shalt  }
0x51: {  	_ =	shalt  }
0x52: {  	_ =	shalt  }
0x53: {  	_ =	shalt  }
0x54: {  	_ =	shalt  }
0x55: {  	_ =	shalt  }
0x56: {  	_ =	shalt  }
0x57: {  	_ =	shalt  }
0x58: {  	_ =	shalt  }
0x59: {  	_ =	shalt  }
0x5a: {  	_ =	shalt  }
0x5b: {  	_ =	shalt  }
0x5c: {  	_ =	shalt  }
0x5d: {  	_ =	shalt  }
0x5e: {  	_ =	shalt  }
0x5f: {  	_ =	shalt  }
0x60: {  	_ =	shalt  }
0x61: {  	_ =	shalt  }
0x62: {  	_ =	shalt  }
0x63: {  	_ =	shalt  }
0x64: {  	_ =	shalt  }
0x65: {  	_ =	shalt  }
0x66: {  	_ =	shalt  }
0x67: {  	_ =	shalt  }
0x68: {  	_ =	shalt  }
0x69: {  	_ =	shalt  }
0x6a: {  	_ =	shalt  }
0x6b: {  	_ =	shalt  }
0x6c: {  	_ =	shalt  }
0x6d: {  	_ =	shalt  }
0x6e: {  	_ =	shalt  }
0x6f: {  	_ =	shalt  }
0x70: {  	_ =	shalt  }
0x71: {  	_ =	shalt  }
0x72: {  	_ =	shalt  }
0x73: {  	_ =	shalt  }
0x74: {  	_ =	shalt  }
0x75: {  	_ =	shalt  }
0x76: {  	_ =	shalt  }
0x77: {  	_ =	shalt  }
0x78: {  	_ =	shalt  }
0x79: {  	_ =	shalt  }
0x7a: {  	_ =	shalt  }
0x7b: {  	_ =	shalt  }
0x7c: {  	_ =	shalt  }
0x7d: {  	_ =	shalt  }
0x7e: {  	_ =	shalt  }
0x7f: {  	_ =	shalt  }
0x80: {  	_ =	shalt  }
0x81: {  	_ =	shalt  }
0x82: {  	_ =	shalt  }
0x83: {  	_ =	shalt  }
0x84: {  	_ =	shalt  }
0x85: {  	_ =	shalt  }
0x86: {  	_ =	shalt  }
0x87: {  	_ =	shalt  }
.Lfunc_end0:
.L_simem_size_0:
called_computation.5_lowered:
.L_overlay_start_0:
0x88: {  	s2 =	sld [smem:$0x3FD9]  }
0x89: {  	s3 =	sld [smem:$0x3FFE];
	_ =	sdelay $0x1  }
0x8a: {  	s1 =	srdreg.scid  }
0x8b: {  	s0 =	sand.u32 $0x1, s1  }
0x8c: {  	s16 =	sshll.u32 s0, $0xA;
	s2 =	sadd.s32 s3, s2  }
0x8d: {  	s2 =	sadd.s32 s2, s16  }
0x8e: {  	[smem:$0x3FBC] =	sst s2  }
0x8f: {  	_ = 	snop  }
0x90: {  	(tm) =	ssettm $0x1  }
0x91: {  	s17 =	sld [smem:$0x3FFB];
	_ =	sdelay $0x3  }
0x92: {  	_ =	strace s17  }
0x93: {  	s2 =	sld [smem:$0x3FFC];
	_ =	sdelay $0x3  }
0x94: {  	_ =	strace s2  }
0x95: {  	s2 =	sld [smem:$0x3FFD];
	_ =	sdelay $0x3  }
0x96: {  	_ =	strace s2  }
0x97: {  	_ =	strace $0x8FFFFFFF  }
0x98: {  	s18 =	sld [smem:$0x3FDB];
	_ =	sdelay $0x1  }
0x99: {  	s19 =	simm.s32 $_scs_section_size  }
0x9a: {  	s4 =	simm.s32 $_size__tile_overlayer_lowered;
	s5 =	simm.s32 $_tile_overlayer_lowered  }
0x9b: {  	s22 =	simm.s32 $0x1BFF;
	s21 =	sshll.u32 s5, $0x1;
	s2 =	sadd.s32 s19, s18  }
0x9c: {  	s6 =	simm.s32 $0x0;
	s20 =	sshll.u32 s4, $0x1;
	s4 =	sadd.s32 s21, s2  }
0x9d: {  	[timem:s6], [sflag:s22] =	dma.local [hbm:s4], s20  }
0x9e: {  	_ =	swait.ge [sflag:s22], s20  }
0x9f: {  	s3 =	ssub.s32 $0x0, s20;
	[sflag:s22] =	ssyncset.done $0x0  }
0xa0: {  	[sflag:s22] =	ssyncadd.s32 s3;
	_ =	sdelay $0x1  }
0xa1: {  	s23 =	simm.s32 $0x1B8B  }
0xa2: {  	_ =	swait.ge [sflag:s23], $0x1  }
0xa3: {  	[sflag:s23] =	ssyncset.done $0x0  }
0xa4: {  	s25 =	simm.s32 $0x1B8E;
	s24 =	sld [smem:$0x3FFE];
	[sflag:s23] =	ssyncadd.s32 $0xFFFFFFFF  }
0xa5: {  	s26 =	simm.s32 $execute0_lowered;
	[smem:$0x3FD2] =	sst s25  }
0xa6: {  	s4 =	sshll.u32 s26, $0x1;
	_ =	strace $0x80000055;
	[dreg:$0x1] =	wrdreg $0xFFFFFFFF  }
0xa7: {  	s28 =	simm.s32 $_size_execute0_lowered;
	s2 =	sadd.s32 s2, s4;
	[dreg:$0x0] =	wrdreg $0x0  }
0xa8: {  	s4 =	sshll.u32 s28, $0x1;
	[dreg:$0x2] =	wrdreg s2  }
0xa9: {  	[dreg:$0x3] =	wrdreg s4  }
0xaa: {  	[dreg:$0x4] =	wrdreg $0xC0  }
0xab: {  	_ =	task [dreg:s6], $0x5FFFF  }
0xac: {  	[dreg:$0x1] =	wrdreg $0xFFFFFFFF  }
0xad: {  	[dreg:$0x0] =	wrdreg $0x60  }
0xae: {  	[dreg:$0x2] =	wrdreg s24  }
0xaf: {  	[dreg:$0x3] =	wrdreg $0x40800  }
0xb0: {  	[dreg:$0x4] =	wrdreg $0x9  }
0xb1: {  	_ =	task.clear_ibuf [dreg:s6], $0x5FFFF;
	_ =	strace $0x90000055  }
0xb2: {  	s29 =	simm.s32 $0x9;
	_ =	strace $0x80000057  }
0xb3: {  	_ =	swait.ge [sflag:s29], $0x1  }
0xb4: {  	[sflag:s29] =	ssyncadd.s32 $0xFFFFFFFF  }
0xb5: {  	_ =	strace $0x90000057  }
0xb6: {  	_ =	sfence  }
0xb7: {  	s30 =	sld [smem:$0x0];
	_ =	sdelay $0x2  }
0xb8: {  	s31 =	sshll.u32 s1, $0xD;
	s1 =	sshrl.u32 s1, $0x2  }
0xb9: {  	s3 =	sand.u32 $0x4000, s31;
	s1 =	sadd.s32 s1, s30  }
0xba: {  	s0 =	sor.u32 s3, s0;
	s1 =	sshll.u32 s1, $0x11  }
0xbb: {  	s0 =	sor.u32 s1, s0  }
0xbc: {  	s0 =	sadd.s32 $0x8F2B, s0  }
0xbd: {  	[sflag:s0] =	ssyncadd.remote.s32 $0x1  }
0xbe: {  	_ =	sfence.sel $0xFFFF  }
0xbf: {  	[dreg:$0x0] =	wrdreg $0xFFFFFFFF;
	(pc) =	sbr.abs _section_cstart, $3  }
0xc0: {  	[dreg:$0x1] =	wrdreg $0xFFFFFFFF  }
0xc1: {  	_ =	task.clear_ibuf [dreg:s6], $0x2FFFF;
	_ =	strace $0x9FFFFFFF  }
0xc2: {  	(tm) =	ssettm $0x7FFFFFFF  }
0xc3: {  	_ =	shalt  }
tec
execute0_lowered:
.L_overlay_start_1:
0x0: {  	(tag) =	ssettag $0x1  }
0x1: {  	s0 =	stileid.u32  }
0x2: {  	s1 =	srdreg.scid;
	s6 =	smul.u32 $0x5100, s0  }
0x3: {  	s4 =	rddreg [dreg:$0x0];
	s8 =	smul.u32 $0x51000, s0  }
0x4: {  	s2 =	rddreg [dreg:$0x1];
	s3 =	simm.s32 $0x0;
	s26 =	smul.u32 $0x2800, s0  }
0x5: {  	s5 =	sand.u32 $0x1, s1;
	s1 =	rddreg [dreg:$0x2];
	s12 =	smul.u32 $0x50000, s0  }
0x6: {  	[smem:$0x7FF] =	sst s3;
	s7 =	smul.u32 $0x2880, s5  }
0x7: {  	s30 =	sshll.u32 s0, $0x6;
	_ =	strace $0x80000056;
	s9 =	smul.u32 $0x28000, s5  }
0x8: {  	s28 =	ssub.s32 $0x2, s5;
	s31 =	smul.u32 $0x28800, s5;
	s5 =	sor.u32 $0x1C01, s30  }
0x9: {  	s8 =	sadd.s32 s8, s4;
	s11 =	sshrl.u32 s28, $0x1;
	s29 =	sshrl.u32 s12, $0x2  }
0xa: {  	s12 =	simm.s32 $0x80;
	s6 =	sadd.s32 s7, s6;
	s9 =	sadd.s32 s26, s9  }
0xb: {  	s7 =	sadd.s32 s26, s4;
	s11 =	ssub.s32 s28, s11;
	s13 =	sadd.s32 s29, s2  }
0xc: {  	s8 =	sadd.s32 s31, s8;
	s6 =	sshrl.u32 s6, $0x3;
	s9 =	sadd.s32 s9, s4  }
0xd: {  	s8 =	sadd.s32 $0x19BC400, s8;
	s10 =	sadd.s32 s6, s4;
	s4 =	sadd.s32 $0x4F0000, s7  }
0xe: {  	s6 =	sadd.s32 $0x4200, s9;
	s7 =	smax.u32 s11, $0x1;
	s11 =	simm.s32 $0x1  }
0xf: {  	s9 =	sadd.s32 $0xA82200, s10;
	s10 =	sshrl.u32 s13, $0x3;
	s13 =	simm.s32 $0x0  }
.LBB2_1:
0x10: {  	[spmem:s10], [sflag:s5] =	dma.local [hbm:s4], $0x2800  }
0x11: {  	_ =	swait.ge [sflag:s11], $0x2800  }
0x12: {  	[sflag:s11] =	ssyncset.done $0x0  }
0x13: {  	[sflag:s11] =	ssyncadd.s32 $0xFFFFD800  }
0x14: {  	s14 =	sadd.s32 $0x0, s9;
	[bflag:$0x0] =	sbarrier.arrive $0xFFFF  }
0x15: {  	[tilespmem:s3], [sflag:$0x1] =	stream.linear.gather [hbm4b:s14+s3], $0x80, $0x38;
	[tilespmem:$0x18080] =	vst v63  }
0x16: {  	_ =	swait.ge [sflag:s11], $0x80  }
0x17: {  	[sflag:s11] =	ssyncset.done $0x0  }
0x18: {  	[sflag:s11] =	ssyncadd.s32 $0xFFFFFF80  }
0x19: {  	[tilespmem:s12], [sflag:$0x1] =	stream.linear.gather [hbm4b:s8+s3], $0x4000, $0x38;
	[tilespmem:$0x18080] =	vst v63  }
0x1a: {  	_ =	swait.ge [sflag:s11], $0x4000  }
0x1b: {  	[sflag:s11] =	ssyncset.done $0x0  }
0x1c: {  	[sflag:s11] =	ssyncadd.s32 $0xFFFFC000  }
0x1d: {  	[spmem:s2] =	stream.indirect.scatter.add.f32 [tilespmem:s12], [sflag:$0x1], $0x80, s3, s12, $0xb8;
	[tilespmem:$0x18080] =	vst v63  }
0x1e: {  	s15 =	simm.s32 $0x10;
	_ =	swait.ge [sflag:s11], $0x4000  }
0x1f: {  	s16 =	simm.s32 $0x20;
	s14 =	sadd.s32 $0x800, s8;
	[sflag:s11] =	ssyncset.done $0x0  }
.LBB2_2:
0x20: {  	s17 =	sadd.s32 s15, s9  }
0x21: {  	[sflag:s11] =	ssyncadd.s32 $0xFFFFC000;
	s15 =	smov.u32 s16;
	s18 =	sadd.s32 $0x10, s16  }
0x22: {  	[tilespmem:s3], [sflag:$0x1] =	stream.linear.gather [hbm4b:s17+s3], $0x80, $0x38;
	[tilespmem:$0x18080] =	vst v63  }
0x23: {  	p0 =	sne.s32 s16, $0x500;
	_ =	swait.ge [sflag:s11], $0x80  }
0x24: {  	[sflag:s11] =	ssyncset.done $0x0  }
0x25: {  	[sflag:s11] =	ssyncadd.s32 $0xFFFFFF80  }
0x26: {  	[tilespmem:s12], [sflag:$0x1] =	stream.linear.gather [hbm4b:s14+s3], $0x4000, $0x38;
	[tilespmem:$0x18080] =	vst v63  }
0x27: {  	_ =	swait.ge [sflag:s11], $0x4000  }
.Ltmp0:
0x28: {  	[sflag:s11] =	ssyncset.done $0x0;
	(pc) =	sbr.rel @p0 .LBB2_2-.Ltmp0, $4  }
0x29: {  	[sflag:s11] =	ssyncadd.s32 $0xFFFFC000  }
0x2a: {  	[spmem:s2] =	stream.indirect.scatter.add.f32 [tilespmem:s12], [sflag:$0x1], $0x80, s3, s12, $0xb8;
	[tilespmem:$0x18080] =	vst v63  }
0x2b: {  	_ =	swait.ge [sflag:s11], $0x4000  }
0x2c: {  	s16 =	smov.u32 s18;
	s14 =	sadd.s32 $0x800, s14;
	[sflag:s11] =	ssyncset.done $0x0  }
0x2d: {  	s15 =	sadd.s32 s15, s9;
	[sflag:s11] =	ssyncadd.s32 $0xFFFFC000  }
0x2e: {  	[tilespmem:s3], [sflag:$0x1] =	stream.linear.gather [hbm4b:s15+s3], $0x80, $0x38;
	[tilespmem:$0x18080] =	vst v63  }
0x2f: {  	_ =	swait.ge [sflag:s11], $0x80  }
0x30: {  	[sflag:s11] =	ssyncset.done $0x0  }
0x31: {  	[sflag:s11] =	ssyncadd.s32 $0xFFFFFF80  }
0x32: {  	[tilespmem:s12], [sflag:$0x1] =	stream.linear.gather [hbm4b:s14+s3], $0x4000, $0x38;
	[tilespmem:$0x18080] =	vst v63  }
0x33: {  	_ =	swait.ge [sflag:s11], $0x4000  }
0x34: {  	[sflag:s11] =	ssyncset.done $0x0  }
0x35: {  	[sflag:s11] =	ssyncadd.s32 $0xFFFFC000  }
0x36: {  	[spmem:s2] =	stream.indirect.scatter.add.f32 [tilespmem:s12], [sflag:$0x1], $0x80, s3, s12, $0xb8;
	[tilespmem:$0x18080] =	vst v63  }
0x37: {  	_ =	swait.ge [sflag:s11], $0x4000  }
0x38: {  	s13 =	sadd.s32 $0x1, s13;
	[sflag:s11] =	ssyncset.done $0x0  }
0x39: {  	p0 =	sne.s32 s13, s7;
	[sflag:s11] =	ssyncadd.s32 $0xFFFFC000  }
.Ltmp1:
0x3a: {  	[bflag:$0x0] =	sbarrier.arrive $0xFFFF;
	(pc) =	sbr.rel @p0 .LBB2_1-.Ltmp1, $4  }
0x3b: {  	[hbm:s6], [sflag:s5] =	dma.local [spmem:s10], $0x2800  }
0x3c: {  	_ =	swait.ge [sflag:s11], $0x2800  }
0x3d: {  	[sflag:s11] =	ssyncset.done $0x0  }
0x3e: {  	[sflag:s11] =	ssyncadd.s32 $0xFFFFD800  }
0x3f: {  	_ =	sfence.sel $0x180000  }
0x40: {  	[bflag:$0x0] =	sbarrier.arrive $0xFFFF  }
0x41: {  	p0 =	sne.s32 s0, $0x0;
	_ =	strace $0x90000056  }
0x42: {  	s0 =	sadd.s32 @!p0 $0x100000, s1;
	[bflag:$0x2] =	sbarrier.arrive $0xFFFF  }
0x43: {  	[sflag:s0] =	ssyncadd.tile.s32 @!p0 $0x1;
	_ =	shalt  }
.Lfunc_end2:
_tile_overlayer_lowered:
.L_overlay_start_2:
0x44: {  	(tag) =	ssettag $0x2  }
0x45: {  	s0 =	rddreg [dreg:$0x0];
	s2 =	stileid.u32  }
0x46: {  	s1 =	rddreg [dreg:$0x1];
	p0 =	sne.s32 s2, $0x0  }
0x47: {  	s3 =	rddreg [dreg:$0x2];
	[bflag:$0x3] =	sbarrier.arrive $0xFFFF;
	s2 =	simm.s32 @!p0 $0x1C01  }
0x48: {  	[timem:s3], [sflag:s2] =	dma.local @!p0 [hbm:s0], s1  }
0x49: {  	s0 =	simm.s32 @!p0 $0x1  }
0x4a: {  	_ =	swait.ge @!p0 [sflag:s0], s1  }
0x4b: {  	s1 =	ssub.s32 @!p0 $0x0, s1;
	[sflag:s0] =	ssyncset.done @!p0 $0x0  }
0x4c: {  	[sflag:s0] =	ssyncadd.s32 @!p0 s1  }
0x4d: {  	[bflag:$0x3] =	sbarrier.arrive $0xFFFF  }
0x4e: {  	_ =	shalt  }

</sc_bundles>
